<compile_context>
chip_gen: v7x
topology: tpu7x:2x2x1
jax: 0.10.2.dev20260603
libtpu: 0.0.44.dev20260713+nightly
codegen_flags: <defaults>
</compile_context>

<pallas_src>
import functools

import jax
import jax.numpy as jnp
from jax import lax
from jax.experimental import pallas as pl
from jax.experimental.pallas import tpu as pltpu
from jax.experimental.pallas import tpu_sc as plsc

B = 64
D = 128
K = 16
T = 0.07
N = B * B * K
NC = 2
NS = 16
NW = NC * NS
ROWS_W = N // NW
CHUNK = 128
NCHUNK = ROWS_W // CHUNK


def _sc_gather(table, idx3, half):
    nchunk = NCHUNK // 2
    rows_w = nchunk * CHUNK
    mesh = plsc.VectorSubcoreMesh(core_axis_name="c", subcore_axis_name="s")

    depth = 4
    out_lag = 2

    @functools.partial(
        pl.kernel,
        mesh=mesh,
        out_type=jax.ShapeDtypeStruct((NW * rows_w, D), jnp.float32),
        scratch_types=(
            [pltpu.VMEM((nchunk, CHUNK), jnp.int32)]
            + [pltpu.VMEM((CHUNK, D), jnp.float32)] * depth
            + [pltpu.SemaphoreType.DMA] * (2 * depth)
        ),
    )
    def gather_k(table_hbm, idx_hbm, out_hbm, idx_v, *rest):
        bufs = rest[:depth]
        gsem = rest[depth:2 * depth]
        osem = rest[2 * depth:]
        wid = lax.axis_index("s") * NC + lax.axis_index("c")
        pltpu.sync_copy(
            idx_hbm.at[half * (NW // 2) + wid // 2,
                       pl.ds((wid % 2) * nchunk, nchunk)], idx_v)
        base = wid * rows_w
        gat = [None] * nchunk
        ocp = [None] * nchunk

        def wb(c):
            gat[c].wait()
            ocp[c] = pltpu.async_copy(
                bufs[c % depth],
                out_hbm.at[pl.ds(base + c * CHUNK, CHUNK)],
                osem[c % depth])

        for c in range(nchunk):
            if c >= depth:
                ocp[c - depth].wait()
            gat[c] = pltpu.async_copy(
                table_hbm.at[idx_v.at[c]], bufs[c % depth], gsem[c % depth])
            if c >= out_lag:
                wb(c - out_lag)
        for c in range(nchunk - out_lag, nchunk):
            wb(c)
        for c in range(max(0, nchunk - depth), nchunk):
            if ocp[c] is not None:
                ocp[c].wait()

    return gather_k(table, idx3)


def _nt(x, w):
    return lax.dot_general(x, w, (((1,), (1,)), ((), ())),
                           preferred_element_type=jnp.float32)


def _mm(x, w, b):
    return _nt(x, w) + b


def _stage1_body(s_ref, t_ref, wes, bes, wet, bet, wmtv, bmtv, wmtq,
                 bmtq, wmtsv, bmtsv, wmtsq, bmtsq, wmt, bmt, wmts, bmts, wht,
                 bht, whts, bhts, ht_ref, vb_ref, pos_ref, e_ref):
    e2 = jnp.equal(
        lax.broadcasted_iota(jnp.int32, (G2, P), 0) // K,
        lax.broadcasted_iota(jnp.int32, (G2, P), 1)).astype(jnp.float32)
    e_ref[...] = e2
    e2v = jnp.equal(
        (lax.broadcasted_iota(jnp.int32, (G2, B), 0) // K) % B,
        lax.broadcasted_iota(jnp.int32, (G2, B), 1)).astype(jnp.float32)
    se = _mm(s_ref[...], wes[...], bes[...])
    te = _mm(t_ref[...], wet[...], bet[...])
    m_t_v = _mm(te, wmtv[...], bmtv[...])
    m_t_q = _mm(te, wmtq[...], bmtq[...])
    v = _mm(te, wmtsv[...], bmtsv[...])
    q_pos = _mm(se, wmtsq[...], bmtsq[...])
    dt = jax.nn.relu(m_t_v[None, :, :] - m_t_q[:, None, :]).reshape(B * B, D)
    rt = _mm(dt, wmt[...], bmt[...])
    ht = _mm(rt, wht[...], bht[...])
    ht = ht / jnp.sqrt(jnp.sum(ht * ht, axis=-1, keepdims=True))
    ht_ref[...] = ht
    vb_ref[...] = jnp.dot(e2v, v, preferred_element_type=jnp.float32)
    dp = jax.nn.relu(v[None, :, :] - q_pos[:, None, :]).reshape(B * B, D)
    rp = _mm(dp, wmts[...], bmts[...])
    hp = _mm(rp, whts[...], bhts[...])
    hp = hp / jnp.sqrt(jnp.sum(hp * hp, axis=-1, keepdims=True))
    pos_ref[...] = jnp.exp(
        (jnp.sum(ht * hp, axis=-1, keepdims=True) - 1.0) / T)


BK = B * K
G2 = 2 * BK
P = G2 // K


def _stage2_body(neg_hbm, ht_ref, pos_ref, vb_ref, e_ref, wmtsq, bmtsq, wmts,
                 bmts, whts, bhts, out_ref, nbuf, sem):
    a = pl.program_id(0)
    na = pl.num_programs(0)
    slot = lax.rem(a, 2)
    nxt = lax.rem(a + 1, 2)

    @pl.when(a == 0)
    def _():
        pltpu.make_async_copy(
            neg_hbm.at[pl.ds(0, G2)], nbuf.at[0], sem.at[0]).start()

    @pl.when(a + 1 < na)
    def _():
        pltpu.make_async_copy(
            neg_hbm.at[pl.ds((a + 1) * G2, G2)], nbuf.at[nxt],
            sem.at[nxt]).start()

    pltpu.make_async_copy(
        neg_hbm.at[pl.ds(a * G2, G2)], nbuf.at[slot], sem.at[slot]).wait()
    q = _mm(nbuf[slot], wmtsq[...], bmtsq[...])
    r = _mm(jax.nn.relu(vb_ref[...] - q), wmts[...], bmts[...])
    h = _mm(r, whts[...], bhts[...])
    h = h * lax.rsqrt(jnp.sum(h * h, axis=-1, keepdims=True))
    htb = jnp.dot(e_ref[...], ht_ref[...], preferred_element_type=jnp.float32)
    p = (h * htb).reshape(P, K, D)
    o = jnp.sum(p, axis=-1)
    out_ref[:, 0:1] = pos_ref[...]
    out_ref[:, 1:K + 1] = jnp.exp((o - 1.0) / T)


def _full(shape):
    return pl.BlockSpec(shape, lambda a: tuple(0 for _ in shape))


def kernel(s, t, y, idx, memory_s, W_embed_s, b_embed_s, W_embed_t, b_embed_t,
           W_mtv, b_mtv, W_mtq, b_mtq, W_mtsv, b_mtsv, W_mtsq, b_mtsq,
           W_mt, b_mt, W_mts, b_mts, W_ht, b_ht, W_hts, b_hts):
    del y
    idx3 = idx.reshape(-1).astype(jnp.int32).reshape(NW, NCHUNK, CHUNK)
    negs = [_sc_gather(memory_s, idx3, h) for h in range(2)]

    b2 = lambda b: b.reshape(1, -1)

    ht, vb, pos, expand = pl.pallas_call(
        _stage1_body,
        out_shape=(
            jax.ShapeDtypeStruct((B * B, D), jnp.float32),
            jax.ShapeDtypeStruct((G2, D), jnp.float32),
            jax.ShapeDtypeStruct((B * B, 1), jnp.float32),
            jax.ShapeDtypeStruct((G2, P), jnp.float32),
        ),
    )(s, t, W_embed_s, b2(b_embed_s), W_embed_t, b2(b_embed_t),
      W_mtv, b2(b_mtv), W_mtq, b2(b_mtq), W_mtsv, b2(b_mtsv),
      W_mtsq, b2(b_mtsq), W_mt, b2(b_mt), W_mts, b2(b_mts),
      W_ht, b2(b_ht), W_hts, b2(b_hts))

    nsteps = N // 2 // G2
    halves = []
    for h in range(2):
        off = h * nsteps
        halves.append(pl.pallas_call(
            _stage2_body,
            grid=(nsteps,),
            in_specs=[
                pl.BlockSpec(memory_space=pl.ANY),
                pl.BlockSpec((P, D), lambda a, off=off: (a + off, 0)),
                pl.BlockSpec((P, 1), lambda a, off=off: (a + off, 0)),
                _full((G2, D)),
                _full((G2, P)),
                _full((D, D)), _full((1, D)),
                _full((D, D)), _full((1, D)),
                _full((D, D)), _full((1, D)),
            ],
            out_specs=pl.BlockSpec((P, D), lambda a: (a, 0)),
            out_shape=jax.ShapeDtypeStruct((nsteps * P, D), jnp.float32),
            scratch_shapes=[
                pltpu.VMEM((2, G2, D), jnp.float32),
                pltpu.SemaphoreType.DMA((2,)),
            ],
        )(negs[h], ht, pos, vb, expand, W_mtsq, b2(b_mtsq), W_mts, b2(b_mts),
          W_hts, b2(b_hts)))

    out = jnp.concatenate(halves, axis=0)[:, :K + 1]
    return out.reshape(B * B, K + 1, 1)

# --- scband reference (transcript-rebuilt; emitter-appended) ---
"""Pipeline reference for scband-relation-memory-16192026706627 (READ-ONLY COPY).

The authoritative reference and input builder live on the scoring server;
editing this copy changes nothing except your own understanding.
"""

import jax, jax.numpy as jnp
import numpy as np

B = 64
DS = 256
DT = 256
D = 128
OUT = 100000
K = 16
T = 0.07

WNAMES = ["W_embed_s","b_embed_s","W_embed_t","b_embed_t","W_mtv","b_mtv","W_mtq","b_mtq","W_mtsv","b_mtsv","W_mtsq","b_mtsq","W_mt","b_mt","W_mts","b_mts","W_ht","b_ht","W_hts","b_hts"]
WSHAPES = [(D,DS),(D,),(D,DT),(D,),(D,D),(D,),(D,D),(D,),(D,D),(D,),(D,D),(D,),(D,D),(D,),(D,D),(D,),(D,D),(D,),(D,D),(D,)]

def _linear(x, W, b):
    return jnp.dot(x, W.T) + b

def _l2norm(x, axis):
    norm = jnp.power(jnp.sum(jnp.power(x, 2), axis=axis, keepdims=True), 0.5)
    return x / norm

def setup_inputs(seed: int = 0):
    key = jax.random.key(seed)
    ks = jax.random.split(key, 5 + len(WNAMES))
    inp = {}
    inp["s"] = jax.random.normal(ks[0], (B, DS), dtype=jnp.float32)
    inp["t"] = jax.random.normal(ks[1], (B, DT), dtype=jnp.float32)
    inp["y"] = jax.random.randint(ks[2], (B,), 0, OUT)
    inp["idx"] = jax.random.randint(ks[3], (B, B, K), 0, OUT)
    stdv = 1.0 / np.sqrt(D / 3.0)
    inp["memory_s"] = jax.random.uniform(ks[4], (OUT, D), minval=-stdv, maxval=stdv, dtype=jnp.float32)
    for i, (n, shp) in enumerate(zip(WNAMES, WSHAPES)):
        inp[n] = jax.random.normal(ks[5 + i], shp, dtype=jnp.float32) * 0.02
    return inp

def _forward(s, t, idx, memory_s, W_embed_s, b_embed_s, W_embed_t, b_embed_t, W_mtv, b_mtv, W_mtq, b_mtq, W_mtsv, b_mtsv, W_mtsq, b_mtsq, W_mt, b_mt, W_mts, b_mts, W_ht, b_ht, W_hts, b_hts):
    bs = s.shape[0]
    idx2 = idx.reshape(bs, bs, -1)[:, :, :K]
    # detached gather of negatives from the memory bank (SparseCore-style row gather)
    neg_s = jax.lax.stop_gradient(jnp.take(memory_s, idx2.reshape(-1), axis=0)).reshape(bs, bs, K, D)
    se = _linear(s, W_embed_s, b_embed_s)
    te = _linear(t, W_embed_t, b_embed_t)
    m_t_v = _linear(te, W_mtv, b_mtv)
    m_t_q = _linear(te, W_mtq, b_mtq)
    m_t_s_v = _linear(te, W_mtsv, b_mtsv)
    m_t_s_q_pos = _linear(se, W_mtsq, b_mtsq)
    m_t_s_q_neg = _linear(neg_s, W_mtsq, b_mtsq)
    r_t = _linear(jax.nn.relu(m_t_v[None, :, :] - m_t_q[:, None, :]), W_mt, b_mt)
    r_t_s_pos = _linear(jax.nn.relu(m_t_s_v[None, :, :] - m_t_s_q_pos[:, None, :]), W_mts, b_mts)
    r_t_s_neg = _linear(jax.nn.relu(m_t_s_v[None, :, None, :] - m_t_s_q_neg), W_mts, b_mts)
    h_t = _l2norm(_linear(r_t, W_ht, b_ht), 2)
    h_t_s_pos = _l2norm(_linear(r_t_s_pos, W_hts, b_hts), 2)
    h_t_s_neg = _l2norm(_linear(r_t_s_neg, W_hts, b_hts), 3)
    h_t_s = jnp.concatenate([h_t_s_pos[:, :, None, :], h_t_s_neg], axis=2).reshape(bs, bs, K + 1, -1)
    out = jnp.exp(jnp.sum(h_t[:, :, None, :] * h_t_s, axis=3, keepdims=True) / T) / jnp.exp(1.0 / T)
    return out.reshape(bs * bs, -1, 1)

def reference(s, t, y, idx, memory_s, W_embed_s, b_embed_s, W_embed_t, b_embed_t, W_mtv, b_mtv, W_mtq, b_mtq, W_mtsv, b_mtsv, W_mtsq, b_mtsq, W_mt, b_mt, W_mts, b_mts, W_ht, b_ht, W_hts, b_hts):
    out = _forward(s, t, idx, memory_s, W_embed_s, b_embed_s, W_embed_t, b_embed_t, W_mtv, b_mtv, W_mtq, b_mtq, W_mtsv, b_mtsv, W_mtsq, b_mtsq, W_mt, b_mt, W_mts, b_mts, W_ht, b_ht, W_hts, b_hts)
    # faithful no-grad memory-bank update (torch: index_copy_ on buffer); computed as a
    # functional scatter-overwrite. The torch module only returns `out`, so we do too.
    momentum = 0.5
    se = jax.lax.stop_gradient(_linear(s, W_embed_s, b_embed_s))
    ab_pos = jnp.take(memory_s, y, axis=0) * momentum + se * (1.0 - momentum)
    ab_norm = jnp.power(jnp.sum(jnp.power(ab_pos, 2), axis=1, keepdims=True), 0.5)
    updated_s = ab_pos / ab_norm
    _ = memory_s.at[y].set(updated_s)  # scatter-overwrite side effect (discarded, matches torch return)
    return out

if __name__ == "__main__":
    import jax
    _d = setup_inputs()
    print(jax.jit(kernel)(*tuple(_d.values())))

</pallas_src>

<mosaic_0001>
#map = affine_map<(d0, d1) -> (0, 0)>
#map1 = affine_map<(d0, d1) -> (0, 0, 0)>
module attributes {stable_mosaic.version = 14 : i64} {
  func.func @gather_k(%arg0: i32, %arg1: i32, %arg2: memref<100000x128xf32, #tpu.memory_space<hbm>>, %arg3: memref<32x16x128xi32, #tpu.memory_space<hbm>>, %arg4: memref<32768x128xf32, #tpu.memory_space<hbm>>, %arg5: memref<8x128xi32, #tpu.memory_space<vmem>>, %arg6: memref<128x128xf32, #tpu.memory_space<vmem>>, %arg7: memref<128x128xf32, #tpu.memory_space<vmem>>, %arg8: memref<128x128xf32, #tpu.memory_space<vmem>>, %arg9: memref<128x128xf32, #tpu.memory_space<vmem>>, %arg10: memref<!tpu.dma_semaphore, #tpu.memory_space<semaphore_mem>>, %arg11: memref<!tpu.dma_semaphore, #tpu.memory_space<semaphore_mem>>, %arg12: memref<!tpu.dma_semaphore, #tpu.memory_space<semaphore_mem>>, %arg13: memref<!tpu.dma_semaphore, #tpu.memory_space<semaphore_mem>>, %arg14: memref<!tpu.dma_semaphore, #tpu.memory_space<semaphore_mem>>, %arg15: memref<!tpu.dma_semaphore, #tpu.memory_space<semaphore_mem>>, %arg16: memref<!tpu.dma_semaphore, #tpu.memory_space<semaphore_mem>>, %arg17: memref<!tpu.dma_semaphore, #tpu.memory_space<semaphore_mem>>) attributes {dimension_semantics = [#tpu.dimension_semantics<core_parallel>, #tpu.dimension_semantics<subcore_parallel>], iteration_bounds = array<i64: 2, 16>, scalar_prefetch = 0 : i64, scratch_operands = 13 : i64, tpu.core_type = #tpu.core_type<sc_vector_subcore>, window_params = [{transform_indices = #map}, {transform_indices = #map1}, {transform_indices = #map}]} {
    %mul3A = arith.constant 2 : i32
    %mul3A_0 = arith.muli %arg1, %mul3A : i32
    %add3A = arith.addi %mul3A_0, %arg0 : i32
    %jit3A = arith.constant 2 : i32
    %div3A = arith.divsi %add3A, %jit3A : i32
    %sign3A = arith.constant 0 : i32
    %sign3A_1 = arith.cmpi sgt, %add3A, %sign3A : i32
    %sign3A_2 = arith.extui %sign3A_1 : i1 to i32
    %sign3A_3 = arith.constant 0 : i32
    %sign3A_4 = arith.cmpi slt, %add3A, %sign3A_3 : i32
    %sign3A_5 = arith.extui %sign3A_4 : i1 to i32
    %sign3A_6 = arith.subi %sign3A_2, %sign3A_5 : i32
    %sign3A_7 = arith.constant 0 : i32
    %sign3A_8 = arith.cmpi sgt, %jit3A, %sign3A_7 : i32
    %sign3A_9 = arith.extui %sign3A_8 : i1 to i32
    %sign3A_10 = arith.constant 0 : i32
    %sign3A_11 = arith.cmpi slt, %jit3A, %sign3A_10 : i32
    %sign3A_12 = arith.extui %sign3A_11 : i1 to i32
    %sign3A_13 = arith.subi %sign3A_9, %sign3A_12 : i32
    %ne3A = arith.cmpi ne, %sign3A_6, %sign3A_13 : i32
    %rem3A = arith.remsi %add3A, %jit3A : i32
    %ne3A_14 = arith.constant 0 : i32
    %ne3A_15 = arith.cmpi ne, %rem3A, %ne3A_14 : i32
    %and3A = arith.andi %ne3A, %ne3A_15 : i1
    %sub3A = arith.constant 1 : i32
    %sub3A_16 = arith.subi %div3A, %sub3A : i32
    %select_n3A = arith.select %and3A, %sub3A_16, %div3A : i32
    %add3A_17 = arith.constant 0 : i32
    %add3A_18 = arith.addi %add3A_17, %select_n3A : i32
    %jit3A_19 = arith.constant 2 : i32
    %eq3A = arith.constant 0 : i32
    %eq3A_20 = arith.cmpi eq, %jit3A_19, %eq3A : i32
    %jit3A_21 = arith.constant 1 : i32
    %select_n3A_22 = arith.select %eq3A_20, %jit3A_21, %jit3A_19 : i32
    %rem3A_23 = arith.remsi %add3A, %select_n3A_22 : i32
    %ne3A_24 = arith.constant 0 : i32
    %ne3A_25 = arith.cmpi ne, %rem3A_23, %ne3A_24 : i32
    %lt3A = arith.constant 0 : i32
    %lt3A_26 = arith.cmpi slt, %rem3A_23, %lt3A : i32
    %lt3A_27 = arith.constant 0 : i32
    %lt3A_28 = arith.cmpi slt, %select_n3A_22, %lt3A_27 : i32
    %ne3A_29 = arith.xori %lt3A_26, %lt3A_28 : i1
    %and3A_30 = arith.andi %ne3A_29, %ne3A_25 : i1
    %add3A_31 = arith.addi %rem3A_23, %select_n3A_22 : i32
    %select_n3A_32 = arith.select %and3A_30, %add3A_31, %rem3A_23 : i32
    %mul3A_33 = arith.constant 8 : i32
    %mul3A_34 = arith.muli %select_n3A_32, %mul3A_33 : i32
    "tpu.region"() ({
      %run_scoped3A = tpu.sem_alloc : memref<!tpu.dma_semaphore, #tpu.memory_space<semaphore_mem>>
      %dma_start3A_227 = arith.constant 0 : i32
      %dma_start3A_228 = tpu.memref_slice %arg3[%add3A_18, %mul3A_34, %dma_start3A_227] : memref<32x16x128xi32, #tpu.memory_space<hbm>> -> memref<1x8x128xi32, #tpu.memory_space<hbm>>
      %dma_start3A_229 = tpu.memref_squeeze %dma_start3A_228 : memref<1x8x128xi32, #tpu.memory_space<hbm>> -> memref<8x128xi32, #tpu.memory_space<hbm>>
      %dma_start3A_230 = arith.constant 0 : i32
      %dma_start3A_231 = tpu.memref_slice %arg3[%add3A_18, %mul3A_34, %dma_start3A_230] : memref<32x16x128xi32, #tpu.memory_space<hbm>> -> memref<1x8x128xi32, #tpu.memory_space<hbm>>
      %dma_start3A_232 = tpu.memref_squeeze %dma_start3A_231 : memref<1x8x128xi32, #tpu.memory_space<hbm>> -> memref<8x128xi32, #tpu.memory_space<hbm>>
      tpu.enqueue_dma source(%dma_start3A_232 : memref<8x128xi32, #tpu.memory_space<hbm>>) target(%arg5 : memref<8x128xi32, #tpu.memory_space<vmem>>) target_semaphore(%run_scoped3A : memref<!tpu.dma_semaphore, #tpu.memory_space<semaphore_mem>>)
      %dma_wait3A_233 = arith.constant 0 : i32
      %dma_wait3A_234 = tpu.memref_slice %arg3[%add3A_18, %mul3A_34, %dma_wait3A_233] : memref<32x16x128xi32, #tpu.memory_space<hbm>> -> memref<1x8x128xi32, #tpu.memory_space<hbm>>
      %dma_wait3A_235 = tpu.memref_squeeze %dma_wait3A_234 : memref<1x8x128xi32, #tpu.memory_space<hbm>> -> memref<8x128xi32, #tpu.memory_space<hbm>>
      %dma_wait3A_236 = arith.constant 0 : i32
      %dma_wait3A_237 = tpu.memref_slice %arg3[%add3A_18, %mul3A_34, %dma_wait3A_236] : memref<32x16x128xi32, #tpu.memory_space<hbm>> -> memref<1x8x128xi32, #tpu.memory_space<hbm>>
      %dma_wait3A_238 = tpu.memref_squeeze %dma_wait3A_237 : memref<1x8x128xi32, #tpu.memory_space<hbm>> -> memref<8x128xi32, #tpu.memory_space<hbm>>
      tpu.wait_dma2 semaphore(%run_scoped3A : memref<!tpu.dma_semaphore, #tpu.memory_space<semaphore_mem>>) src(%dma_wait3A_238 : memref<8x128xi32, #tpu.memory_space<hbm>>) dst(%arg5 : memref<8x128xi32, #tpu.memory_space<vmem>>)
      tpu.yield
    }) : () -> ()
    %mul3A_35 = arith.constant 1024 : i32
    %mul3A_36 = arith.muli %add3A, %mul3A_35 : i32
    %dma_start3A = arith.constant 0 : i32
    %dma_start3A_37 = arith.constant 0 : i32
    %dma_start3A_38 = tpu.memref_slice %arg5[%dma_start3A, %dma_start3A_37] : memref<8x128xi32, #tpu.memory_space<vmem>> -> memref<1x128xi32, #tpu.memory_space<vmem>>
    %dma_start3A_39 = tpu.memref_squeeze %dma_start3A_38 : memref<1x128xi32, #tpu.memory_space<vmem>> -> memref<128xi32, #tpu.memory_space<vmem>>
    %dma_start3A_40 = arith.constant 0 : i32
    %dma_start3A_41 = arith.constant 0 : i32
    %dma_start3A_42 = tpu.memref_slice %arg2[%dma_start3A_40, %dma_start3A_41] : memref<100000x128xf32, #tpu.memory_space<hbm>> -> memref<100000x128xf32, #tpu.memory_space<hbm>>
    tpu.enqueue_indirect_dma source(%dma_start3A_42 : memref<100000x128xf32, #tpu.memory_space<hbm>>) target(%arg6 : memref<128x128xf32, #tpu.memory_space<vmem>>) offsets(%dma_start3A_39 : memref<128xi32, #tpu.memory_space<vmem>>) semaphore(%arg10 : memref<!tpu.dma_semaphore, #tpu.memory_space<semaphore_mem>>)
    %dma_start3A_43 = arith.constant 1 : i32
    %dma_start3A_44 = arith.constant 0 : i32
    %dma_start3A_45 = tpu.memref_slice %arg5[%dma_start3A_43, %dma_start3A_44] : memref<8x128xi32, #tpu.memory_space<vmem>> -> memref<1x128xi32, #tpu.memory_space<vmem>>
    %dma_start3A_46 = tpu.memref_squeeze %dma_start3A_45 : memref<1x128xi32, #tpu.memory_space<vmem>> -> memref<128xi32, #tpu.memory_space<vmem>>
    %dma_start3A_47 = arith.constant 0 : i32
    %dma_start3A_48 = arith.constant 0 : i32
    %dma_start3A_49 = tpu.memref_slice %arg2[%dma_start3A_47, %dma_start3A_48] : memref<100000x128xf32, #tpu.memory_space<hbm>> -> memref<100000x128xf32, #tpu.memory_space<hbm>>
    tpu.enqueue_indirect_dma source(%dma_start3A_49 : memref<100000x128xf32, #tpu.memory_space<hbm>>) target(%arg7 : memref<128x128xf32, #tpu.memory_space<vmem>>) offsets(%dma_start3A_46 : memref<128xi32, #tpu.memory_space<vmem>>) semaphore(%arg11 : memref<!tpu.dma_semaphore, #tpu.memory_space<semaphore_mem>>)
    %dma_start3A_50 = arith.constant 2 : i32
    %dma_start3A_51 = arith.constant 0 : i32
    %dma_start3A_52 = tpu.memref_slice %arg5[%dma_start3A_50, %dma_start3A_51] : memref<8x128xi32, #tpu.memory_space<vmem>> -> memref<1x128xi32, #tpu.memory_space<vmem>>
    %dma_start3A_53 = tpu.memref_squeeze %dma_start3A_52 : memref<1x128xi32, #tpu.memory_space<vmem>> -> memref<128xi32, #tpu.memory_space<vmem>>
    %dma_start3A_54 = arith.constant 0 : i32
    %dma_start3A_55 = arith.constant 0 : i32
    %dma_start3A_56 = tpu.memref_slice %arg2[%dma_start3A_54, %dma_start3A_55] : memref<100000x128xf32, #tpu.memory_space<hbm>> -> memref<100000x128xf32, #tpu.memory_space<hbm>>
    tpu.enqueue_indirect_dma source(%dma_start3A_56 : memref<100000x128xf32, #tpu.memory_space<hbm>>) target(%arg8 : memref<128x128xf32, #tpu.memory_space<vmem>>) offsets(%dma_start3A_53 : memref<128xi32, #tpu.memory_space<vmem>>) semaphore(%arg12 : memref<!tpu.dma_semaphore, #tpu.memory_space<semaphore_mem>>)
    %dma_wait3A = arith.constant 0 : i32
    %dma_wait3A_57 = arith.constant 0 : i32
    %dma_wait3A_58 = tpu.memref_slice %arg5[%dma_wait3A, %dma_wait3A_57] : memref<8x128xi32, #tpu.memory_space<vmem>> -> memref<1x128xi32, #tpu.memory_space<vmem>>
    %dma_wait3A_59 = tpu.memref_squeeze %dma_wait3A_58 : memref<1x128xi32, #tpu.memory_space<vmem>> -> memref<128xi32, #tpu.memory_space<vmem>>
    %dma_wait3A_60 = arith.constant 0 : i32
    %dma_wait3A_61 = arith.constant 0 : i32
    %dma_wait3A_62 = tpu.memref_slice %arg2[%dma_wait3A_60, %dma_wait3A_61] : memref<100000x128xf32, #tpu.memory_space<hbm>> -> memref<100000x128xf32, #tpu.memory_space<hbm>>
    tpu.wait_indirect_dma semaphore(%arg10 : memref<!tpu.dma_semaphore, #tpu.memory_space<semaphore_mem>>) src(%dma_wait3A_62 : memref<100000x128xf32, #tpu.memory_space<hbm>>) dst(%arg6 : memref<128x128xf32, #tpu.memory_space<vmem>>)
    %add3A_63 = arith.constant 0 : i32
    %add3A_64 = arith.addi %mul3A_36, %add3A_63 : i32
    %dma_start3A_65 = arith.constant 0 : i32
    %dma_start3A_66 = tpu.memref_slice %arg4[%add3A_64, %dma_start3A_65] : memref<32768x128xf32, #tpu.memory_space<hbm>> -> memref<128x128xf32, #tpu.memory_space<hbm>>
    %dma_start3A_67 = arith.constant 0 : i32
    %dma_start3A_68 = tpu.memref_slice %arg4[%add3A_64, %dma_start3A_67] : memref<32768x128xf32, #tpu.memory_space<hbm>> -> memref<128x128xf32, #tpu.memory_space<hbm>>
    tpu.enqueue_dma source(%arg6 : memref<128x128xf32, #tpu.memory_space<vmem>>) target(%dma_start3A_68 : memref<128x128xf32, #tpu.memory_space<hbm>>) target_semaphore(%arg14 : memref<!tpu.dma_semaphore, #tpu.memory_space<semaphore_mem>>)
    %dma_start3A_69 = arith.constant 3 : i32
    %dma_start3A_70 = arith.constant 0 : i32
    %dma_start3A_71 = tpu.memref_slice %arg5[%dma_start3A_69, %dma_start3A_70] : memref<8x128xi32, #tpu.memory_space<vmem>> -> memref<1x128xi32, #tpu.memory_space<vmem>>
    %dma_start3A_72 = tpu.memref_squeeze %dma_start3A_71 : memref<1x128xi32, #tpu.memory_space<vmem>> -> memref<128xi32, #tpu.memory_space<vmem>>
    %dma_start3A_73 = arith.constant 0 : i32
    %dma_start3A_74 = arith.constant 0 : i32
    %dma_start3A_75 = tpu.memref_slice %arg2[%dma_start3A_73, %dma_start3A_74] : memref<100000x128xf32, #tpu.memory_space<hbm>> -> memref<100000x128xf32, #tpu.memory_space<hbm>>
    tpu.enqueue_indirect_dma source(%dma_start3A_75 : memref<100000x128xf32, #tpu.memory_space<hbm>>) target(%arg9 : memref<128x128xf32, #tpu.memory_space<vmem>>) offsets(%dma_start3A_72 : memref<128xi32, #tpu.memory_space<vmem>>) semaphore(%arg13 : memref<!tpu.dma_semaphore, #tpu.memory_space<semaphore_mem>>)
    %dma_wait3A_76 = arith.constant 1 : i32
    %dma_wait3A_77 = arith.constant 0 : i32
    %dma_wait3A_78 = tpu.memref_slice %arg5[%dma_wait3A_76, %dma_wait3A_77] : memref<8x128xi32, #tpu.memory_space<vmem>> -> memref<1x128xi32, #tpu.memory_space<vmem>>
    %dma_wait3A_79 = tpu.memref_squeeze %dma_wait3A_78 : memref<1x128xi32, #tpu.memory_space<vmem>> -> memref<128xi32, #tpu.memory_space<vmem>>
    %dma_wait3A_80 = arith.constant 0 : i32
    %dma_wait3A_81 = arith.constant 0 : i32
    %dma_wait3A_82 = tpu.memref_slice %arg2[%dma_wait3A_80, %dma_wait3A_81] : memref<100000x128xf32, #tpu.memory_space<hbm>> -> memref<100000x128xf32, #tpu.memory_space<hbm>>
    tpu.wait_indirect_dma semaphore(%arg11 : memref<!tpu.dma_semaphore, #tpu.memory_space<semaphore_mem>>) src(%dma_wait3A_82 : memref<100000x128xf32, #tpu.memory_space<hbm>>) dst(%arg7 : memref<128x128xf32, #tpu.memory_space<vmem>>)
    %add3A_83 = arith.constant 128 : i32
    %add3A_84 = arith.addi %mul3A_36, %add3A_83 : i32
    %dma_start3A_85 = arith.constant 0 : i32
    %dma_start3A_86 = tpu.memref_slice %arg4[%add3A_84, %dma_start3A_85] : memref<32768x128xf32, #tpu.memory_space<hbm>> -> memref<128x128xf32, #tpu.memory_space<hbm>>
    %dma_start3A_87 = arith.constant 0 : i32
    %dma_start3A_88 = tpu.memref_slice %arg4[%add3A_84, %dma_start3A_87] : memref<32768x128xf32, #tpu.memory_space<hbm>> -> memref<128x128xf32, #tpu.memory_space<hbm>>
    tpu.enqueue_dma source(%arg7 : memref<128x128xf32, #tpu.memory_space<vmem>>) target(%dma_start3A_88 : memref<128x128xf32, #tpu.memory_space<hbm>>) target_semaphore(%arg15 : memref<!tpu.dma_semaphore, #tpu.memory_space<semaphore_mem>>)
    %dma_wait3A_89 = arith.constant 0 : i32
    %dma_wait3A_90 = tpu.memref_slice %arg4[%add3A_64, %dma_wait3A_89] : memref<32768x128xf32, #tpu.memory_space<hbm>> -> memref<128x128xf32, #tpu.memory_space<hbm>>
    %dma_wait3A_91 = arith.constant 0 : i32
    %dma_wait3A_92 = tpu.memref_slice %arg4[%add3A_64, %dma_wait3A_91] : memref<32768x128xf32, #tpu.memory_space<hbm>> -> memref<128x128xf32, #tpu.memory_space<hbm>>
    tpu.wait_dma2 semaphore(%arg14 : memref<!tpu.dma_semaphore, #tpu.memory_space<semaphore_mem>>) src(%arg6 : memref<128x128xf32, #tpu.memory_space<vmem>>) dst(%dma_wait3A_92 : memref<128x128xf32, #tpu.memory_space<hbm>>)
    %dma_start3A_93 = arith.constant 4 : i32
    %dma_start3A_94 = arith.constant 0 : i32
    %dma_start3A_95 = tpu.memref_slice %arg5[%dma_start3A_93, %dma_start3A_94] : memref<8x128xi32, #tpu.memory_space<vmem>> -> memref<1x128xi32, #tpu.memory_space<vmem>>
    %dma_start3A_96 = tpu.memref_squeeze %dma_start3A_95 : memref<1x128xi32, #tpu.memory_space<vmem>> -> memref<128xi32, #tpu.memory_space<vmem>>
    %dma_start3A_97 = arith.constant 0 : i32
    %dma_start3A_98 = arith.constant 0 : i32
    %dma_start3A_99 = tpu.memref_slice %arg2[%dma_start3A_97, %dma_start3A_98] : memref<100000x128xf32, #tpu.memory_space<hbm>> -> memref<100000x128xf32, #tpu.memory_space<hbm>>
    tpu.enqueue_indirect_dma source(%dma_start3A_99 : memref<100000x128xf32, #tpu.memory_space<hbm>>) target(%arg6 : memref<128x128xf32, #tpu.memory_space<vmem>>) offsets(%dma_start3A_96 : memref<128xi32, #tpu.memory_space<vmem>>) semaphore(%arg10 : memref<!tpu.dma_semaphore, #tpu.memory_space<semaphore_mem>>)
    %dma_wait3A_100 = arith.constant 2 : i32
    %dma_wait3A_101 = arith.constant 0 : i32
    %dma_wait3A_102 = tpu.memref_slice %arg5[%dma_wait3A_100, %dma_wait3A_101] : memref<8x128xi32, #tpu.memory_space<vmem>> -> memref<1x128xi32, #tpu.memory_space<vmem>>
    %dma_wait3A_103 = tpu.memref_squeeze %dma_wait3A_102 : memref<1x128xi32, #tpu.memory_space<vmem>> -> memref<128xi32, #tpu.memory_space<vmem>>
    %dma_wait3A_104 = arith.constant 0 : i32
    %dma_wait3A_105 = arith.constant 0 : i32
    %dma_wait3A_106 = tpu.memref_slice %arg2[%dma_wait3A_104, %dma_wait3A_105] : memref<100000x128xf32, #tpu.memory_space<hbm>> -> memref<100000x128xf32, #tpu.memory_space<hbm>>
    tpu.wait_indirect_dma semaphore(%arg12 : memref<!tpu.dma_semaphore, #tpu.memory_space<semaphore_mem>>) src(%dma_wait3A_106 : memref<100000x128xf32, #tpu.memory_space<hbm>>) dst(%arg8 : memref<128x128xf32, #tpu.memory_space<vmem>>)
    %add3A_107 = arith.constant 256 : i32
    %add3A_108 = arith.addi %mul3A_36, %add3A_107 : i32
    %dma_start3A_109 = arith.constant 0 : i32
    %dma_start3A_110 = tpu.memref_slice %arg4[%add3A_108, %dma_start3A_109] : memref<32768x128xf32, #tpu.memory_space<hbm>> -> memref<128x128xf32, #tpu.memory_space<hbm>>
    %dma_start3A_111 = arith.constant 0 : i32
    %dma_start3A_112 = tpu.memref_slice %arg4[%add3A_108, %dma_start3A_111] : memref<32768x128xf32, #tpu.memory_space<hbm>> -> memref<128x128xf32, #tpu.memory_space<hbm>>
    tpu.enqueue_dma source(%arg8 : memref<128x128xf32, #tpu.memory_space<vmem>>) target(%dma_start3A_112 : memref<128x128xf32, #tpu.memory_space<hbm>>) target_semaphore(%arg16 : memref<!tpu.dma_semaphore, #tpu.memory_space<semaphore_mem>>)
    %dma_wait3A_113 = arith.constant 0 : i32
    %dma_wait3A_114 = tpu.memref_slice %arg4[%add3A_84, %dma_wait3A_113] : memref<32768x128xf32, #tpu.memory_space<hbm>> -> memref<128x128xf32, #tpu.memory_space<hbm>>
    %dma_wait3A_115 = arith.constant 0 : i32
    %dma_wait3A_116 = tpu.memref_slice %arg4[%add3A_84, %dma_wait3A_115] : memref<32768x128xf32, #tpu.memory_space<hbm>> -> memref<128x128xf32, #tpu.memory_space<hbm>>
    tpu.wait_dma2 semaphore(%arg15 : memref<!tpu.dma_semaphore, #tpu.memory_space<semaphore_mem>>) src(%arg7 : memref<128x128xf32, #tpu.memory_space<vmem>>) dst(%dma_wait3A_116 : memref<128x128xf32, #tpu.memory_space<hbm>>)
    %dma_start3A_117 = arith.constant 5 : i32
    %dma_start3A_118 = arith.constant 0 : i32
    %dma_start3A_119 = tpu.memref_slice %arg5[%dma_start3A_117, %dma_start3A_118] : memref<8x128xi32, #tpu.memory_space<vmem>> -> memref<1x128xi32, #tpu.memory_space<vmem>>
    %dma_start3A_120 = tpu.memref_squeeze %dma_start3A_119 : memref<1x128xi32, #tpu.memory_space<vmem>> -> memref<128xi32, #tpu.memory_space<vmem>>
    %dma_start3A_121 = arith.constant 0 : i32
    %dma_start3A_122 = arith.constant 0 : i32
    %dma_start3A_123 = tpu.memref_slice %arg2[%dma_start3A_121, %dma_start3A_122] : memref<100000x128xf32, #tpu.memory_space<hbm>> -> memref<100000x128xf32, #tpu.memory_space<hbm>>
    tpu.enqueue_indirect_dma source(%dma_start3A_123 : memref<100000x128xf32, #tpu.memory_space<hbm>>) target(%arg7 : memref<128x128xf32, #tpu.memory_space<vmem>>) offsets(%dma_start3A_120 : memref<128xi32, #tpu.memory_space<vmem>>) semaphore(%arg11 : memref<!tpu.dma_semaphore, #tpu.memory_space<semaphore_mem>>)
    %dma_wait3A_124 = arith.constant 3 : i32
    %dma_wait3A_125 = arith.constant 0 : i32
    %dma_wait3A_126 = tpu.memref_slice %arg5[%dma_wait3A_124, %dma_wait3A_125] : memref<8x128xi32, #tpu.memory_space<vmem>> -> memref<1x128xi32, #tpu.memory_space<vmem>>
    %dma_wait3A_127 = tpu.memref_squeeze %dma_wait3A_126 : memref<1x128xi32, #tpu.memory_space<vmem>> -> memref<128xi32, #tpu.memory_space<vmem>>
    %dma_wait3A_128 = arith.constant 0 : i32
    %dma_wait3A_129 = arith.constant 0 : i32
    %dma_wait3A_130 = tpu.memref_slice %arg2[%dma_wait3A_128, %dma_wait3A_129] : memref<100000x128xf32, #tpu.memory_space<hbm>> -> memref<100000x128xf32, #tpu.memory_space<hbm>>
    tpu.wait_indirect_dma semaphore(%arg13 : memref<!tpu.dma_semaphore, #tpu.memory_space<semaphore_mem>>) src(%dma_wait3A_130 : memref<100000x128xf32, #tpu.memory_space<hbm>>) dst(%arg9 : memref<128x128xf32, #tpu.memory_space<vmem>>)
    %add3A_131 = arith.constant 384 : i32
    %add3A_132 = arith.addi %mul3A_36, %add3A_131 : i32
    %dma_start3A_133 = arith.constant 0 : i32
    %dma_start3A_134 = tpu.memref_slice %arg4[%add3A_132, %dma_start3A_133] : memref<32768x128xf32, #tpu.memory_space<hbm>> -> memref<128x128xf32, #tpu.memory_space<hbm>>
    %dma_start3A_135 = arith.constant 0 : i32
    %dma_start3A_136 = tpu.memref_slice %arg4[%add3A_132, %dma_start3A_135] : memref<32768x128xf32, #tpu.memory_space<hbm>> -> memref<128x128xf32, #tpu.memory_space<hbm>>
    tpu.enqueue_dma source(%arg9 : memref<128x128xf32, #tpu.memory_space<vmem>>) target(%dma_start3A_136 : memref<128x128xf32, #tpu.memory_space<hbm>>) target_semaphore(%arg17 : memref<!tpu.dma_semaphore, #tpu.memory_space<semaphore_mem>>)
    %dma_wait3A_137 = arith.constant 0 : i32
    %dma_wait3A_138 = tpu.memref_slice %arg4[%add3A_108, %dma_wait3A_137] : memref<32768x128xf32, #tpu.memory_space<hbm>> -> memref<128x128xf32, #tpu.memory_space<hbm>>
    %dma_wait3A_139 = arith.constant 0 : i32
    %dma_wait3A_140 = tpu.memref_slice %arg4[%add3A_108, %dma_wait3A_139] : memref<32768x128xf32, #tpu.memory_space<hbm>> -> memref<128x128xf32, #tpu.memory_space<hbm>>
    tpu.wait_dma2 semaphore(%arg16 : memref<!tpu.dma_semaphore, #tpu.memory_space<semaphore_mem>>) src(%arg8 : memref<128x128xf32, #tpu.memory_space<vmem>>) dst(%dma_wait3A_140 : memref<128x128xf32, #tpu.memory_space<hbm>>)
    %dma_start3A_141 = arith.constant 6 : i32
    %dma_start3A_142 = arith.constant 0 : i32
    %dma_start3A_143 = tpu.memref_slice %arg5[%dma_start3A_141, %dma_start3A_142] : memref<8x128xi32, #tpu.memory_space<vmem>> -> memref<1x128xi32, #tpu.memory_space<vmem>>
    %dma_start3A_144 = tpu.memref_squeeze %dma_start3A_143 : memref<1x128xi32, #tpu.memory_space<vmem>> -> memref<128xi32, #tpu.memory_space<vmem>>
    %dma_start3A_145 = arith.constant 0 : i32
    %dma_start3A_146 = arith.constant 0 : i32
    %dma_start3A_147 = tpu.memref_slice %arg2[%dma_start3A_145, %dma_start3A_146] : memref<100000x128xf32, #tpu.memory_space<hbm>> -> memref<100000x128xf32, #tpu.memory_space<hbm>>
    tpu.enqueue_indirect_dma source(%dma_start3A_147 : memref<100000x128xf32, #tpu.memory_space<hbm>>) target(%arg8 : memref<128x128xf32, #tpu.memory_space<vmem>>) offsets(%dma_start3A_144 : memref<128xi32, #tpu.memory_space<vmem>>) semaphore(%arg12 : memref<!tpu.dma_semaphore, #tpu.memory_space<semaphore_mem>>)
    %dma_wait3A_148 = arith.constant 4 : i32
    %dma_wait3A_149 = arith.constant 0 : i32
    %dma_wait3A_150 = tpu.memref_slice %arg5[%dma_wait3A_148, %dma_wait3A_149] : memref<8x128xi32, #tpu.memory_space<vmem>> -> memref<1x128xi32, #tpu.memory_space<vmem>>
    %dma_wait3A_151 = tpu.memref_squeeze %dma_wait3A_150 : memref<1x128xi32, #tpu.memory_space<vmem>> -> memref<128xi32, #tpu.memory_space<vmem>>
    %dma_wait3A_152 = arith.constant 0 : i32
    %dma_wait3A_153 = arith.constant 0 : i32
    %dma_wait3A_154 = tpu.memref_slice %arg2[%dma_wait3A_152, %dma_wait3A_153] : memref<100000x128xf32, #tpu.memory_space<hbm>> -> memref<100000x128xf32, #tpu.memory_space<hbm>>
    tpu.wait_indirect_dma semaphore(%arg10 : memref<!tpu.dma_semaphore, #tpu.memory_space<semaphore_mem>>) src(%dma_wait3A_154 : memref<100000x128xf32, #tpu.memory_space<hbm>>) dst(%arg6 : memref<128x128xf32, #tpu.memory_space<vmem>>)
    %add3A_155 = arith.constant 512 : i32
    %add3A_156 = arith.addi %mul3A_36, %add3A_155 : i32
    %dma_start3A_157 = arith.constant 0 : i32
    %dma_start3A_158 = tpu.memref_slice %arg4[%add3A_156, %dma_start3A_157] : memref<32768x128xf32, #tpu.memory_space<hbm>> -> memref<128x128xf32, #tpu.memory_space<hbm>>
    %dma_start3A_159 = arith.constant 0 : i32
    %dma_start3A_160 = tpu.memref_slice %arg4[%add3A_156, %dma_start3A_159] : memref<32768x128xf32, #tpu.memory_space<hbm>> -> memref<128x128xf32, #tpu.memory_space<hbm>>
    tpu.enqueue_dma source(%arg6 : memref<128x128xf32, #tpu.memory_space<vmem>>) target(%dma_start3A_160 : memref<128x128xf32, #tpu.memory_space<hbm>>) target_semaphore(%arg14 : memref<!tpu.dma_semaphore, #tpu.memory_space<semaphore_mem>>)
    %dma_wait3A_161 = arith.constant 0 : i32
    %dma_wait3A_162 = tpu.memref_slice %arg4[%add3A_132, %dma_wait3A_161] : memref<32768x128xf32, #tpu.memory_space<hbm>> -> memref<128x128xf32, #tpu.memory_space<hbm>>
    %dma_wait3A_163 = arith.constant 0 : i32
    %dma_wait3A_164 = tpu.memref_slice %arg4[%add3A_132, %dma_wait3A_163] : memref<32768x128xf32, #tpu.memory_space<hbm>> -> memref<128x128xf32, #tpu.memory_space<hbm>>
    tpu.wait_dma2 semaphore(%arg17 : memref<!tpu.dma_semaphore, #tpu.memory_space<semaphore_mem>>) src(%arg9 : memref<128x128xf32, #tpu.memory_space<vmem>>) dst(%dma_wait3A_164 : memref<128x128xf32, #tpu.memory_space<hbm>>)
    %dma_start3A_165 = arith.constant 7 : i32
    %dma_start3A_166 = arith.constant 0 : i32
    %dma_start3A_167 = tpu.memref_slice %arg5[%dma_start3A_165, %dma_start3A_166] : memref<8x128xi32, #tpu.memory_space<vmem>> -> memref<1x128xi32, #tpu.memory_space<vmem>>
    %dma_start3A_168 = tpu.memref_squeeze %dma_start3A_167 : memref<1x128xi32, #tpu.memory_space<vmem>> -> memref<128xi32, #tpu.memory_space<vmem>>
    %dma_start3A_169 = arith.constant 0 : i32
    %dma_start3A_170 = arith.constant 0 : i32
    %dma_start3A_171 = tpu.memref_slice %arg2[%dma_start3A_169, %dma_start3A_170] : memref<100000x128xf32, #tpu.memory_space<hbm>> -> memref<100000x128xf32, #tpu.memory_space<hbm>>
    tpu.enqueue_indirect_dma source(%dma_start3A_171 : memref<100000x128xf32, #tpu.memory_space<hbm>>) target(%arg9 : memref<128x128xf32, #tpu.memory_space<vmem>>) offsets(%dma_start3A_168 : memref<128xi32, #tpu.memory_space<vmem>>) semaphore(%arg13 : memref<!tpu.dma_semaphore, #tpu.memory_space<semaphore_mem>>)
    %dma_wait3A_172 = arith.constant 5 : i32
    %dma_wait3A_173 = arith.constant 0 : i32
    %dma_wait3A_174 = tpu.memref_slice %arg5[%dma_wait3A_172, %dma_wait3A_173] : memref<8x128xi32, #tpu.memory_space<vmem>> -> memref<1x128xi32, #tpu.memory_space<vmem>>
    %dma_wait3A_175 = tpu.memref_squeeze %dma_wait3A_174 : memref<1x128xi32, #tpu.memory_space<vmem>> -> memref<128xi32, #tpu.memory_space<vmem>>
    %dma_wait3A_176 = arith.constant 0 : i32
    %dma_wait3A_177 = arith.constant 0 : i32
    %dma_wait3A_178 = tpu.memref_slice %arg2[%dma_wait3A_176, %dma_wait3A_177] : memref<100000x128xf32, #tpu.memory_space<hbm>> -> memref<100000x128xf32, #tpu.memory_space<hbm>>
    tpu.wait_indirect_dma semaphore(%arg11 : memref<!tpu.dma_semaphore, #tpu.memory_space<semaphore_mem>>) src(%dma_wait3A_178 : memref<100000x128xf32, #tpu.memory_space<hbm>>) dst(%arg7 : memref<128x128xf32, #tpu.memory_space<vmem>>)
    %add3A_179 = arith.constant 640 : i32
    %add3A_180 = arith.addi %mul3A_36, %add3A_179 : i32
    %dma_start3A_181 = arith.constant 0 : i32
    %dma_start3A_182 = tpu.memref_slice %arg4[%add3A_180, %dma_start3A_181] : memref<32768x128xf32, #tpu.memory_space<hbm>> -> memref<128x128xf32, #tpu.memory_space<hbm>>
    %dma_start3A_183 = arith.constant 0 : i32
    %dma_start3A_184 = tpu.memref_slice %arg4[%add3A_180, %dma_start3A_183] : memref<32768x128xf32, #tpu.memory_space<hbm>> -> memref<128x128xf32, #tpu.memory_space<hbm>>
    tpu.enqueue_dma source(%arg7 : memref<128x128xf32, #tpu.memory_space<vmem>>) target(%dma_start3A_184 : memref<128x128xf32, #tpu.memory_space<hbm>>) target_semaphore(%arg15 : memref<!tpu.dma_semaphore, #tpu.memory_space<semaphore_mem>>)
    %dma_wait3A_185 = arith.constant 6 : i32
    %dma_wait3A_186 = arith.constant 0 : i32
    %dma_wait3A_187 = tpu.memref_slice %arg5[%dma_wait3A_185, %dma_wait3A_186] : memref<8x128xi32, #tpu.memory_space<vmem>> -> memref<1x128xi32, #tpu.memory_space<vmem>>
    %dma_wait3A_188 = tpu.memref_squeeze %dma_wait3A_187 : memref<1x128xi32, #tpu.memory_space<vmem>> -> memref<128xi32, #tpu.memory_space<vmem>>
    %dma_wait3A_189 = arith.constant 0 : i32
    %dma_wait3A_190 = arith.constant 0 : i32
    %dma_wait3A_191 = tpu.memref_slice %arg2[%dma_wait3A_189, %dma_wait3A_190] : memref<100000x128xf32, #tpu.memory_space<hbm>> -> memref<100000x128xf32, #tpu.memory_space<hbm>>
    tpu.wait_indirect_dma semaphore(%arg12 : memref<!tpu.dma_semaphore, #tpu.memory_space<semaphore_mem>>) src(%dma_wait3A_191 : memref<100000x128xf32, #tpu.memory_space<hbm>>) dst(%arg8 : memref<128x128xf32, #tpu.memory_space<vmem>>)
    %add3A_192 = arith.constant 768 : i32
    %add3A_193 = arith.addi %mul3A_36, %add3A_192 : i32
    %dma_start3A_194 = arith.constant 0 : i32
    %dma_start3A_195 = tpu.memref_slice %arg4[%add3A_193, %dma_start3A_194] : memref<32768x128xf32, #tpu.memory_space<hbm>> -> memref<128x128xf32, #tpu.memory_space<hbm>>
    %dma_start3A_196 = arith.constant 0 : i32
    %dma_start3A_197 = tpu.memref_slice %arg4[%add3A_193, %dma_start3A_196] : memref<32768x128xf32, #tpu.memory_space<hbm>> -> memref<128x128xf32, #tpu.memory_space<hbm>>
    tpu.enqueue_dma source(%arg8 : memref<128x128xf32, #tpu.memory_space<vmem>>) target(%dma_start3A_197 : memref<128x128xf32, #tpu.memory_space<hbm>>) target_semaphore(%arg16 : memref<!tpu.dma_semaphore, #tpu.memory_space<semaphore_mem>>)
    %dma_wait3A_198 = arith.constant 7 : i32
    %dma_wait3A_199 = arith.constant 0 : i32
    %dma_wait3A_200 = tpu.memref_slice %arg5[%dma_wait3A_198, %dma_wait3A_199] : memref<8x128xi32, #tpu.memory_space<vmem>> -> memref<1x128xi32, #tpu.memory_space<vmem>>
    %dma_wait3A_201 = tpu.memref_squeeze %dma_wait3A_200 : memref<1x128xi32, #tpu.memory_space<vmem>> -> memref<128xi32, #tpu.memory_space<vmem>>
    %dma_wait3A_202 = arith.constant 0 : i32
    %dma_wait3A_203 = arith.constant 0 : i32
    %dma_wait3A_204 = tpu.memref_slice %arg2[%dma_wait3A_202, %dma_wait3A_203] : memref<100000x128xf32, #tpu.memory_space<hbm>> -> memref<100000x128xf32, #tpu.memory_space<hbm>>
    tpu.wait_indirect_dma semaphore(%arg13 : memref<!tpu.dma_semaphore, #tpu.memory_space<semaphore_mem>>) src(%dma_wait3A_204 : memref<100000x128xf32, #tpu.memory_space<hbm>>) dst(%arg9 : memref<128x128xf32, #tpu.memory_space<vmem>>)
    %add3A_205 = arith.constant 896 : i32
    %add3A_206 = arith.addi %mul3A_36, %add3A_205 : i32
    %dma_start3A_207 = arith.constant 0 : i32
    %dma_start3A_208 = tpu.memref_slice %arg4[%add3A_206, %dma_start3A_207] : memref<32768x128xf32, #tpu.memory_space<hbm>> -> memref<128x128xf32, #tpu.memory_space<hbm>>
    %dma_start3A_209 = arith.constant 0 : i32
    %dma_start3A_210 = tpu.memref_slice %arg4[%add3A_206, %dma_start3A_209] : memref<32768x128xf32, #tpu.memory_space<hbm>> -> memref<128x128xf32, #tpu.memory_space<hbm>>
    tpu.enqueue_dma source(%arg9 : memref<128x128xf32, #tpu.memory_space<vmem>>) target(%dma_start3A_210 : memref<128x128xf32, #tpu.memory_space<hbm>>) target_semaphore(%arg17 : memref<!tpu.dma_semaphore, #tpu.memory_space<semaphore_mem>>)
    %dma_wait3A_211 = arith.constant 0 : i32
    %dma_wait3A_212 = tpu.memref_slice %arg4[%add3A_156, %dma_wait3A_211] : memref<32768x128xf32, #tpu.memory_space<hbm>> -> memref<128x128xf32, #tpu.memory_space<hbm>>
    %dma_wait3A_213 = arith.constant 0 : i32
    %dma_wait3A_214 = tpu.memref_slice %arg4[%add3A_156, %dma_wait3A_213] : memref<32768x128xf32, #tpu.memory_space<hbm>> -> memref<128x128xf32, #tpu.memory_space<hbm>>
    tpu.wait_dma2 semaphore(%arg14 : memref<!tpu.dma_semaphore, #tpu.memory_space<semaphore_mem>>) src(%arg6 : memref<128x128xf32, #tpu.memory_space<vmem>>) dst(%dma_wait3A_214 : memref<128x128xf32, #tpu.memory_space<hbm>>)
    %dma_wait3A_215 = arith.constant 0 : i32
    %dma_wait3A_216 = tpu.memref_slice %arg4[%add3A_180, %dma_wait3A_215] : memref<32768x128xf32, #tpu.memory_space<hbm>> -> memref<128x128xf32, #tpu.memory_space<hbm>>
    %dma_wait3A_217 = arith.constant 0 : i32
    %dma_wait3A_218 = tpu.memref_slice %arg4[%add3A_180, %dma_wait3A_217] : memref<32768x128xf32, #tpu.memory_space<hbm>> -> memref<128x128xf32, #tpu.memory_space<hbm>>
    tpu.wait_dma2 semaphore(%arg15 : memref<!tpu.dma_semaphore, #tpu.memory_space<semaphore_mem>>) src(%arg7 : memref<128x128xf32, #tpu.memory_space<vmem>>) dst(%dma_wait3A_218 : memref<128x128xf32, #tpu.memory_space<hbm>>)
    %dma_wait3A_219 = arith.constant 0 : i32
    %dma_wait3A_220 = tpu.memref_slice %arg4[%add3A_193, %dma_wait3A_219] : memref<32768x128xf32, #tpu.memory_space<hbm>> -> memref<128x128xf32, #tpu.memory_space<hbm>>
    %dma_wait3A_221 = arith.constant 0 : i32
    %dma_wait3A_222 = tpu.memref_slice %arg4[%add3A_193, %dma_wait3A_221] : memref<32768x128xf32, #tpu.memory_space<hbm>> -> memref<128x128xf32, #tpu.memory_space<hbm>>
    tpu.wait_dma2 semaphore(%arg16 : memref<!tpu.dma_semaphore, #tpu.memory_space<semaphore_mem>>) src(%arg8 : memref<128x128xf32, #tpu.memory_space<vmem>>) dst(%dma_wait3A_222 : memref<128x128xf32, #tpu.memory_space<hbm>>)
    %dma_wait3A_223 = arith.constant 0 : i32
    %dma_wait3A_224 = tpu.memref_slice %arg4[%add3A_206, %dma_wait3A_223] : memref<32768x128xf32, #tpu.memory_space<hbm>> -> memref<128x128xf32, #tpu.memory_space<hbm>>
    %dma_wait3A_225 = arith.constant 0 : i32
    %dma_wait3A_226 = tpu.memref_slice %arg4[%add3A_206, %dma_wait3A_225] : memref<32768x128xf32, #tpu.memory_space<hbm>> -> memref<128x128xf32, #tpu.memory_space<hbm>>
    tpu.wait_dma2 semaphore(%arg17 : memref<!tpu.dma_semaphore, #tpu.memory_space<semaphore_mem>>) src(%arg9 : memref<128x128xf32, #tpu.memory_space<vmem>>) dst(%dma_wait3A_226 : memref<128x128xf32, #tpu.memory_space<hbm>>)
    return
  }
}

#map = affine_map<(d0, d1) -> (0, 0)>
#map1 = affine_map<(d0, d1) -> (0, 0, 0)>
module attributes {stable_mosaic.version = 14 : i64} {
  func.func @gather_k(%arg0: i32, %arg1: i32, %arg2: memref<100000x128xf32, #tpu.memory_space<hbm>>, %arg3: memref<32x16x128xi32, #tpu.memory_space<hbm>>, %arg4: memref<32768x128xf32, #tpu.memory_space<hbm>>, %arg5: memref<8x128xi32, #tpu.memory_space<vmem>>, %arg6: memref<128x128xf32, #tpu.memory_space<vmem>>, %arg7: memref<128x128xf32, #tpu.memory_space<vmem>>, %arg8: memref<128x128xf32, #tpu.memory_space<vmem>>, %arg9: memref<128x128xf32, #tpu.memory_space<vmem>>, %arg10: memref<!tpu.dma_semaphore, #tpu.memory_space<semaphore_mem>>, %arg11: memref<!tpu.dma_semaphore, #tpu.memory_space<semaphore_mem>>, %arg12: memref<!tpu.dma_semaphore, #tpu.memory_space<semaphore_mem>>, %arg13: memref<!tpu.dma_semaphore, #tpu.memory_space<semaphore_mem>>, %arg14: memref<!tpu.dma_semaphore, #tpu.memory_space<semaphore_mem>>, %arg15: memref<!tpu.dma_semaphore, #tpu.memory_space<semaphore_mem>>, %arg16: memref<!tpu.dma_semaphore, #tpu.memory_space<semaphore_mem>>, %arg17: memref<!tpu.dma_semaphore, #tpu.memory_space<semaphore_mem>>) attributes {dimension_semantics = [#tpu.dimension_semantics<core_parallel>, #tpu.dimension_semantics<subcore_parallel>], iteration_bounds = array<i64: 2, 16>, scalar_prefetch = 0 : i64, scratch_operands = 13 : i64, tpu.core_type = #tpu.core_type<sc_vector_subcore>, window_params = [{transform_indices = #map}, {transform_indices = #map1}, {transform_indices = #map}]} {
    %mul3A = arith.constant 2 : i32
    %mul3A_0 = arith.muli %arg1, %mul3A : i32
    %add3A = arith.addi %mul3A_0, %arg0 : i32
    %jit3A = arith.constant 2 : i32
    %div3A = arith.divsi %add3A, %jit3A : i32
    %sign3A = arith.constant 0 : i32
    %sign3A_1 = arith.cmpi sgt, %add3A, %sign3A : i32
    %sign3A_2 = arith.extui %sign3A_1 : i1 to i32
    %sign3A_3 = arith.constant 0 : i32
    %sign3A_4 = arith.cmpi slt, %add3A, %sign3A_3 : i32
    %sign3A_5 = arith.extui %sign3A_4 : i1 to i32
    %sign3A_6 = arith.subi %sign3A_2, %sign3A_5 : i32
    %sign3A_7 = arith.constant 0 : i32
    %sign3A_8 = arith.cmpi sgt, %jit3A, %sign3A_7 : i32
    %sign3A_9 = arith.extui %sign3A_8 : i1 to i32
    %sign3A_10 = arith.constant 0 : i32
    %sign3A_11 = arith.cmpi slt, %jit3A, %sign3A_10 : i32
    %sign3A_12 = arith.extui %sign3A_11 : i1 to i32
    %sign3A_13 = arith.subi %sign3A_9, %sign3A_12 : i32
    %ne3A = arith.cmpi ne, %sign3A_6, %sign3A_13 : i32
    %rem3A = arith.remsi %add3A, %jit3A : i32
    %ne3A_14 = arith.constant 0 : i32
    %ne3A_15 = arith.cmpi ne, %rem3A, %ne3A_14 : i32
    %and3A = arith.andi %ne3A, %ne3A_15 : i1
    %sub3A = arith.constant 1 : i32
    %sub3A_16 = arith.subi %div3A, %sub3A : i32
    %select_n3A = arith.select %and3A, %sub3A_16, %div3A : i32
    %add3A_17 = arith.constant 16 : i32
    %add3A_18 = arith.addi %add3A_17, %select_n3A : i32
    %jit3A_19 = arith.constant 2 : i32
    %eq3A = arith.constant 0 : i32
    %eq3A_20 = arith.cmpi eq, %jit3A_19, %eq3A : i32
    %jit3A_21 = arith.constant 1 : i32
    %select_n3A_22 = arith.select %eq3A_20, %jit3A_21, %jit3A_19 : i32
    %rem3A_23 = arith.remsi %add3A, %select_n3A_22 : i32
    %ne3A_24 = arith.constant 0 : i32
    %ne3A_25 = arith.cmpi ne, %rem3A_23, %ne3A_24 : i32
    %lt3A = arith.constant 0 : i32
    %lt3A_26 = arith.cmpi slt, %rem3A_23, %lt3A : i32
    %lt3A_27 = arith.constant 0 : i32
    %lt3A_28 = arith.cmpi slt, %select_n3A_22, %lt3A_27 : i32
    %ne3A_29 = arith.xori %lt3A_26, %lt3A_28 : i1
    %and3A_30 = arith.andi %ne3A_29, %ne3A_25 : i1
    %add3A_31 = arith.addi %rem3A_23, %select_n3A_22 : i32
    %select_n3A_32 = arith.select %and3A_30, %add3A_31, %rem3A_23 : i32
    %mul3A_33 = arith.constant 8 : i32
    %mul3A_34 = arith.muli %select_n3A_32, %mul3A_33 : i32
    "tpu.region"() ({
      %run_scoped3A = tpu.sem_alloc : memref<!tpu.dma_semaphore, #tpu.memory_space<semaphore_mem>>
      %dma_start3A_227 = arith.constant 0 : i32
      %dma_start3A_228 = tpu.memref_slice %arg3[%add3A_18, %mul3A_34, %dma_start3A_227] : memref<32x16x128xi32, #tpu.memory_space<hbm>> -> memref<1x8x128xi32, #tpu.memory_space<hbm>>
      %dma_start3A_229 = tpu.memref_squeeze %dma_start3A_228 : memref<1x8x128xi32, #tpu.memory_space<hbm>> -> memref<8x128xi32, #tpu.memory_space<hbm>>
      %dma_start3A_230 = arith.constant 0 : i32
      %dma_start3A_231 = tpu.memref_slice %arg3[%add3A_18, %mul3A_34, %dma_start3A_230] : memref<32x16x128xi32, #tpu.memory_space<hbm>> -> memref<1x8x128xi32, #tpu.memory_space<hbm>>
      %dma_start3A_232 = tpu.memref_squeeze %dma_start3A_231 : memref<1x8x128xi32, #tpu.memory_space<hbm>> -> memref<8x128xi32, #tpu.memory_space<hbm>>
      tpu.enqueue_dma source(%dma_start3A_232 : memref<8x128xi32, #tpu.memory_space<hbm>>) target(%arg5 : memref<8x128xi32, #tpu.memory_space<vmem>>) target_semaphore(%run_scoped3A : memref<!tpu.dma_semaphore, #tpu.memory_space<semaphore_mem>>)
      %dma_wait3A_233 = arith.constant 0 : i32
      %dma_wait3A_234 = tpu.memref_slice %arg3[%add3A_18, %mul3A_34, %dma_wait3A_233] : memref<32x16x128xi32, #tpu.memory_space<hbm>> -> memref<1x8x128xi32, #tpu.memory_space<hbm>>
      %dma_wait3A_235 = tpu.memref_squeeze %dma_wait3A_234 : memref<1x8x128xi32, #tpu.memory_space<hbm>> -> memref<8x128xi32, #tpu.memory_space<hbm>>
      %dma_wait3A_236 = arith.constant 0 : i32
      %dma_wait3A_237 = tpu.memref_slice %arg3[%add3A_18, %mul3A_34, %dma_wait3A_236] : memref<32x16x128xi32, #tpu.memory_space<hbm>> -> memref<1x8x128xi32, #tpu.memory_space<hbm>>
      %dma_wait3A_238 = tpu.memref_squeeze %dma_wait3A_237 : memref<1x8x128xi32, #tpu.memory_space<hbm>> -> memref<8x128xi32, #tpu.memory_space<hbm>>
      tpu.wait_dma2 semaphore(%run_scoped3A : memref<!tpu.dma_semaphore, #tpu.memory_space<semaphore_mem>>) src(%dma_wait3A_238 : memref<8x128xi32, #tpu.memory_space<hbm>>) dst(%arg5 : memref<8x128xi32, #tpu.memory_space<vmem>>)
      tpu.yield
    }) : () -> ()
    %mul3A_35 = arith.constant 1024 : i32
    %mul3A_36 = arith.muli %add3A, %mul3A_35 : i32
    %dma_start3A = arith.constant 0 : i32
    %dma_start3A_37 = arith.constant 0 : i32
    %dma_start3A_38 = tpu.memref_slice %arg5[%dma_start3A, %dma_start3A_37] : memref<8x128xi32, #tpu.memory_space<vmem>> -> memref<1x128xi32, #tpu.memory_space<vmem>>
    %dma_start3A_39 = tpu.memref_squeeze %dma_start3A_38 : memref<1x128xi32, #tpu.memory_space<vmem>> -> memref<128xi32, #tpu.memory_space<vmem>>
    %dma_start3A_40 = arith.constant 0 : i32
    %dma_start3A_41 = arith.constant 0 : i32
    %dma_start3A_42 = tpu.memref_slice %arg2[%dma_start3A_40, %dma_start3A_41] : memref<100000x128xf32, #tpu.memory_space<hbm>> -> memref<100000x128xf32, #tpu.memory_space<hbm>>
    tpu.enqueue_indirect_dma source(%dma_start3A_42 : memref<100000x128xf32, #tpu.memory_space<hbm>>) target(%arg6 : memref<128x128xf32, #tpu.memory_space<vmem>>) offsets(%dma_start3A_39 : memref<128xi32, #tpu.memory_space<vmem>>) semaphore(%arg10 : memref<!tpu.dma_semaphore, #tpu.memory_space<semaphore_mem>>)
    %dma_start3A_43 = arith.constant 1 : i32
    %dma_start3A_44 = arith.constant 0 : i32
    %dma_start3A_45 = tpu.memref_slice %arg5[%dma_start3A_43, %dma_start3A_44] : memref<8x128xi32, #tpu.memory_space<vmem>> -> memref<1x128xi32, #tpu.memory_space<vmem>>
    %dma_start3A_46 = tpu.memref_squeeze %dma_start3A_45 : memref<1x128xi32, #tpu.memory_space<vmem>> -> memref<128xi32, #tpu.memory_space<vmem>>
    %dma_start3A_47 = arith.constant 0 : i32
    %dma_start3A_48 = arith.constant 0 : i32
    %dma_start3A_49 = tpu.memref_slice %arg2[%dma_start3A_47, %dma_start3A_48] : memref<100000x128xf32, #tpu.memory_space<hbm>> -> memref<100000x128xf32, #tpu.memory_space<hbm>>
    tpu.enqueue_indirect_dma source(%dma_start3A_49 : memref<100000x128xf32, #tpu.memory_space<hbm>>) target(%arg7 : memref<128x128xf32, #tpu.memory_space<vmem>>) offsets(%dma_start3A_46 : memref<128xi32, #tpu.memory_space<vmem>>) semaphore(%arg11 : memref<!tpu.dma_semaphore, #tpu.memory_space<semaphore_mem>>)
    %dma_start3A_50 = arith.constant 2 : i32
    %dma_start3A_51 = arith.constant 0 : i32
    %dma_start3A_52 = tpu.memref_slice %arg5[%dma_start3A_50, %dma_start3A_51] : memref<8x128xi32, #tpu.memory_space<vmem>> -> memref<1x128xi32, #tpu.memory_space<vmem>>
    %dma_start3A_53 = tpu.memref_squeeze %dma_start3A_52 : memref<1x128xi32, #tpu.memory_space<vmem>> -> memref<128xi32, #tpu.memory_space<vmem>>
    %dma_start3A_54 = arith.constant 0 : i32
    %dma_start3A_55 = arith.constant 0 : i32
    %dma_start3A_56 = tpu.memref_slice %arg2[%dma_start3A_54, %dma_start3A_55] : memref<100000x128xf32, #tpu.memory_space<hbm>> -> memref<100000x128xf32, #tpu.memory_space<hbm>>
    tpu.enqueue_indirect_dma source(%dma_start3A_56 : memref<100000x128xf32, #tpu.memory_space<hbm>>) target(%arg8 : memref<128x128xf32, #tpu.memory_space<vmem>>) offsets(%dma_start3A_53 : memref<128xi32, #tpu.memory_space<vmem>>) semaphore(%arg12 : memref<!tpu.dma_semaphore, #tpu.memory_space<semaphore_mem>>)
    %dma_wait3A = arith.constant 0 : i32
    %dma_wait3A_57 = arith.constant 0 : i32
    %dma_wait3A_58 = tpu.memref_slice %arg5[%dma_wait3A, %dma_wait3A_57] : memref<8x128xi32, #tpu.memory_space<vmem>> -> memref<1x128xi32, #tpu.memory_space<vmem>>
    %dma_wait3A_59 = tpu.memref_squeeze %dma_wait3A_58 : memref<1x128xi32, #tpu.memory_space<vmem>> -> memref<128xi32, #tpu.memory_space<vmem>>
    %dma_wait3A_60 = arith.constant 0 : i32
    %dma_wait3A_61 = arith.constant 0 : i32
    %dma_wait3A_62 = tpu.memref_slice %arg2[%dma_wait3A_60, %dma_wait3A_61] : memref<100000x128xf32, #tpu.memory_space<hbm>> -> memref<100000x128xf32, #tpu.memory_space<hbm>>
    tpu.wait_indirect_dma semaphore(%arg10 : memref<!tpu.dma_semaphore, #tpu.memory_space<semaphore_mem>>) src(%dma_wait3A_62 : memref<100000x128xf32, #tpu.memory_space<hbm>>) dst(%arg6 : memref<128x128xf32, #tpu.memory_space<vmem>>)
    %add3A_63 = arith.constant 0 : i32
    %add3A_64 = arith.addi %mul3A_36, %add3A_63 : i32
    %dma_start3A_65 = arith.constant 0 : i32
    %dma_start3A_66 = tpu.memref_slice %arg4[%add3A_64, %dma_start3A_65] : memref<32768x128xf32, #tpu.memory_space<hbm>> -> memref<128x128xf32, #tpu.memory_space<hbm>>
    %dma_start3A_67 = arith.constant 0 : i32
    %dma_start3A_68 = tpu.memref_slice %arg4[%add3A_64, %dma_start3A_67] : memref<32768x128xf32, #tpu.memory_space<hbm>> -> memref<128x128xf32, #tpu.memory_space<hbm>>
    tpu.enqueue_dma source(%arg6 : memref<128x128xf32, #tpu.memory_space<vmem>>) target(%dma_start3A_68 : memref<128x128xf32, #tpu.memory_space<hbm>>) target_semaphore(%arg14 : memref<!tpu.dma_semaphore, #tpu.memory_space<semaphore_mem>>)
    %dma_start3A_69 = arith.constant 3 : i32
    %dma_start3A_70 = arith.constant 0 : i32
    %dma_start3A_71 = tpu.memref_slice %arg5[%dma_start3A_69, %dma_start3A_70] : memref<8x128xi32, #tpu.memory_space<vmem>> -> memref<1x128xi32, #tpu.memory_space<vmem>>
    %dma_start3A_72 = tpu.memref_squeeze %dma_start3A_71 : memref<1x128xi32, #tpu.memory_space<vmem>> -> memref<128xi32, #tpu.memory_space<vmem>>
    %dma_start3A_73 = arith.constant 0 : i32
    %dma_start3A_74 = arith.constant 0 : i32
    %dma_start3A_75 = tpu.memref_slice %arg2[%dma_start3A_73, %dma_start3A_74] : memref<100000x128xf32, #tpu.memory_space<hbm>> -> memref<100000x128xf32, #tpu.memory_space<hbm>>
    tpu.enqueue_indirect_dma source(%dma_start3A_75 : memref<100000x128xf32, #tpu.memory_space<hbm>>) target(%arg9 : memref<128x128xf32, #tpu.memory_space<vmem>>) offsets(%dma_start3A_72 : memref<128xi32, #tpu.memory_space<vmem>>) semaphore(%arg13 : memref<!tpu.dma_semaphore, #tpu.memory_space<semaphore_mem>>)
    %dma_wait3A_76 = arith.constant 1 : i32
    %dma_wait3A_77 = arith.constant 0 : i32
    %dma_wait3A_78 = tpu.memref_slice %arg5[%dma_wait3A_76, %dma_wait3A_77] : memref<8x128xi32, #tpu.memory_space<vmem>> -> memref<1x128xi32, #tpu.memory_space<vmem>>
    %dma_wait3A_79 = tpu.memref_squeeze %dma_wait3A_78 : memref<1x128xi32, #tpu.memory_space<vmem>> -> memref<128xi32, #tpu.memory_space<vmem>>
    %dma_wait3A_80 = arith.constant 0 : i32
    %dma_wait3A_81 = arith.constant 0 : i32
    %dma_wait3A_82 = tpu.memref_slice %arg2[%dma_wait3A_80, %dma_wait3A_81] : memref<100000x128xf32, #tpu.memory_space<hbm>> -> memref<100000x128xf32, #tpu.memory_space<hbm>>
    tpu.wait_indirect_dma semaphore(%arg11 : memref<!tpu.dma_semaphore, #tpu.memory_space<semaphore_mem>>) src(%dma_wait3A_82 : memref<100000x128xf32, #tpu.memory_space<hbm>>) dst(%arg7 : memref<128x128xf32, #tpu.memory_space<vmem>>)
    %add3A_83 = arith.constant 128 : i32
    %add3A_84 = arith.addi %mul3A_36, %add3A_83 : i32
    %dma_start3A_85 = arith.constant 0 : i32
    %dma_start3A_86 = tpu.memref_slice %arg4[%add3A_84, %dma_start3A_85] : memref<32768x128xf32, #tpu.memory_space<hbm>> -> memref<128x128xf32, #tpu.memory_space<hbm>>
    %dma_start3A_87 = arith.constant 0 : i32
    %dma_start3A_88 = tpu.memref_slice %arg4[%add3A_84, %dma_start3A_87] : memref<32768x128xf32, #tpu.memory_space<hbm>> -> memref<128x128xf32, #tpu.memory_space<hbm>>
    tpu.enqueue_dma source(%arg7 : memref<128x128xf32, #tpu.memory_space<vmem>>) target(%dma_start3A_88 : memref<128x128xf32, #tpu.memory_space<hbm>>) target_semaphore(%arg15 : memref<!tpu.dma_semaphore, #tpu.memory_space<semaphore_mem>>)
    %dma_wait3A_89 = arith.constant 0 : i32
    %dma_wait3A_90 = tpu.memref_slice %arg4[%add3A_64, %dma_wait3A_89] : memref<32768x128xf32, #tpu.memory_space<hbm>> -> memref<128x128xf32, #tpu.memory_space<hbm>>
    %dma_wait3A_91 = arith.constant 0 : i32
    %dma_wait3A_92 = tpu.memref_slice %arg4[%add3A_64, %dma_wait3A_91] : memref<32768x128xf32, #tpu.memory_space<hbm>> -> memref<128x128xf32, #tpu.memory_space<hbm>>
    tpu.wait_dma2 semaphore(%arg14 : memref<!tpu.dma_semaphore, #tpu.memory_space<semaphore_mem>>) src(%arg6 : memref<128x128xf32, #tpu.memory_space<vmem>>) dst(%dma_wait3A_92 : memref<128x128xf32, #tpu.memory_space<hbm>>)
    %dma_start3A_93 = arith.constant 4 : i32
    %dma_start3A_94 = arith.constant 0 : i32
    %dma_start3A_95 = tpu.memref_slice %arg5[%dma_start3A_93, %dma_start3A_94] : memref<8x128xi32, #tpu.memory_space<vmem>> -> memref<1x128xi32, #tpu.memory_space<vmem>>
    %dma_start3A_96 = tpu.memref_squeeze %dma_start3A_95 : memref<1x128xi32, #tpu.memory_space<vmem>> -> memref<128xi32, #tpu.memory_space<vmem>>
    %dma_start3A_97 = arith.constant 0 : i32
    %dma_start3A_98 = arith.constant 0 : i32
    %dma_start3A_99 = tpu.memref_slice %arg2[%dma_start3A_97, %dma_start3A_98] : memref<100000x128xf32, #tpu.memory_space<hbm>> -> memref<100000x128xf32, #tpu.memory_space<hbm>>
    tpu.enqueue_indirect_dma source(%dma_start3A_99 : memref<100000x128xf32, #tpu.memory_space<hbm>>) target(%arg6 : memref<128x128xf32, #tpu.memory_space<vmem>>) offsets(%dma_start3A_96 : memref<128xi32, #tpu.memory_space<vmem>>) semaphore(%arg10 : memref<!tpu.dma_semaphore, #tpu.memory_space<semaphore_mem>>)
    %dma_wait3A_100 = arith.constant 2 : i32
    %dma_wait3A_101 = arith.constant 0 : i32
    %dma_wait3A_102 = tpu.memref_slice %arg5[%dma_wait3A_100, %dma_wait3A_101] : memref<8x128xi32, #tpu.memory_space<vmem>> -> memref<1x128xi32, #tpu.memory_space<vmem>>
    %dma_wait3A_103 = tpu.memref_squeeze %dma_wait3A_102 : memref<1x128xi32, #tpu.memory_space<vmem>> -> memref<128xi32, #tpu.memory_space<vmem>>
    %dma_wait3A_104 = arith.constant 0 : i32
    %dma_wait3A_105 = arith.constant 0 : i32
    %dma_wait3A_106 = tpu.memref_slice %arg2[%dma_wait3A_104, %dma_wait3A_105] : memref<100000x128xf32, #tpu.memory_space<hbm>> -> memref<100000x128xf32, #tpu.memory_space<hbm>>
    tpu.wait_indirect_dma semaphore(%arg12 : memref<!tpu.dma_semaphore, #tpu.memory_space<semaphore_mem>>) src(%dma_wait3A_106 : memref<100000x128xf32, #tpu.memory_space<hbm>>) dst(%arg8 : memref<128x128xf32, #tpu.memory_space<vmem>>)
    %add3A_107 = arith.constant 256 : i32
    %add3A_108 = arith.addi %mul3A_36, %add3A_107 : i32
    %dma_start3A_109 = arith.constant 0 : i32
    %dma_start3A_110 = tpu.memref_slice %arg4[%add3A_108, %dma_start3A_109] : memref<32768x128xf32, #tpu.memory_space<hbm>> -> memref<128x128xf32, #tpu.memory_space<hbm>>
    %dma_start3A_111 = arith.constant 0 : i32
    %dma_start3A_112 = tpu.memref_slice %arg4[%add3A_108, %dma_start3A_111] : memref<32768x128xf32, #tpu.memory_space<hbm>> -> memref<128x128xf32, #tpu.memory_space<hbm>>
    tpu.enqueue_dma source(%arg8 : memref<128x128xf32, #tpu.memory_space<vmem>>) target(%dma_start3A_112 : memref<128x128xf32, #tpu.memory_space<hbm>>) target_semaphore(%arg16 : memref<!tpu.dma_semaphore, #tpu.memory_space<semaphore_mem>>)
    %dma_wait3A_113 = arith.constant 0 : i32
    %dma_wait3A_114 = tpu.memref_slice %arg4[%add3A_84, %dma_wait3A_113] : memref<32768x128xf32, #tpu.memory_space<hbm>> -> memref<128x128xf32, #tpu.memory_space<hbm>>
    %dma_wait3A_115 = arith.constant 0 : i32
    %dma_wait3A_116 = tpu.memref_slice %arg4[%add3A_84, %dma_wait3A_115] : memref<32768x128xf32, #tpu.memory_space<hbm>> -> memref<128x128xf32, #tpu.memory_space<hbm>>
    tpu.wait_dma2 semaphore(%arg15 : memref<!tpu.dma_semaphore, #tpu.memory_space<semaphore_mem>>) src(%arg7 : memref<128x128xf32, #tpu.memory_space<vmem>>) dst(%dma_wait3A_116 : memref<128x128xf32, #tpu.memory_space<hbm>>)
    %dma_start3A_117 = arith.constant 5 : i32
    %dma_start3A_118 = arith.constant 0 : i32
    %dma_start3A_119 = tpu.memref_slice %arg5[%dma_start3A_117, %dma_start3A_118] : memref<8x128xi32, #tpu.memory_space<vmem>> -> memref<1x128xi32, #tpu.memory_space<vmem>>
    %dma_start3A_120 = tpu.memref_squeeze %dma_start3A_119 : memref<1x128xi32, #tpu.memory_space<vmem>> -> memref<128xi32, #tpu.memory_space<vmem>>
    %dma_start3A_121 = arith.constant 0 : i32
    %dma_start3A_122 = arith.constant 0 : i32
    %dma_start3A_123 = tpu.memref_slice %arg2[%dma_start3A_121, %dma_start3A_122] : memref<100000x128xf32, #tpu.memory_space<hbm>> -> memref<100000x128xf32, #tpu.memory_space<hbm>>
    tpu.enqueue_indirect_dma source(%dma_start3A_123 : memref<100000x128xf32, #tpu.memory_space<hbm>>) target(%arg7 : memref<128x128xf32, #tpu.memory_space<vmem>>) offsets(%dma_start3A_120 : memref<128xi32, #tpu.memory_space<vmem>>) semaphore(%arg11 : memref<!tpu.dma_semaphore, #tpu.memory_space<semaphore_mem>>)
    %dma_wait3A_124 = arith.constant 3 : i32
    %dma_wait3A_125 = arith.constant 0 : i32
    %dma_wait3A_126 = tpu.memref_slice %arg5[%dma_wait3A_124, %dma_wait3A_125] : memref<8x128xi32, #tpu.memory_space<vmem>> -> memref<1x128xi32, #tpu.memory_space<vmem>>
    %dma_wait3A_127 = tpu.memref_squeeze %dma_wait3A_126 : memref<1x128xi32, #tpu.memory_space<vmem>> -> memref<128xi32, #tpu.memory_space<vmem>>
    %dma_wait3A_128 = arith.constant 0 : i32
    %dma_wait3A_129 = arith.constant 0 : i32
    %dma_wait3A_130 = tpu.memref_slice %arg2[%dma_wait3A_128, %dma_wait3A_129] : memref<100000x128xf32, #tpu.memory_space<hbm>> -> memref<100000x128xf32, #tpu.memory_space<hbm>>
    tpu.wait_indirect_dma semaphore(%arg13 : memref<!tpu.dma_semaphore, #tpu.memory_space<semaphore_mem>>) src(%dma_wait3A_130 : memref<100000x128xf32, #tpu.memory_space<hbm>>) dst(%arg9 : memref<128x128xf32, #tpu.memory_space<vmem>>)
    %add3A_131 = arith.constant 384 : i32
    %add3A_132 = arith.addi %mul3A_36, %add3A_131 : i32
    %dma_start3A_133 = arith.constant 0 : i32
    %dma_start3A_134 = tpu.memref_slice %arg4[%add3A_132, %dma_start3A_133] : memref<32768x128xf32, #tpu.memory_space<hbm>> -> memref<128x128xf32, #tpu.memory_space<hbm>>
    %dma_start3A_135 = arith.constant 0 : i32
    %dma_start3A_136 = tpu.memref_slice %arg4[%add3A_132, %dma_start3A_135] : memref<32768x128xf32, #tpu.memory_space<hbm>> -> memref<128x128xf32, #tpu.memory_space<hbm>>
    tpu.enqueue_dma source(%arg9 : memref<128x128xf32, #tpu.memory_space<vmem>>) target(%dma_start3A_136 : memref<128x128xf32, #tpu.memory_space<hbm>>) target_semaphore(%arg17 : memref<!tpu.dma_semaphore, #tpu.memory_space<semaphore_mem>>)
    %dma_wait3A_137 = arith.constant 0 : i32
    %dma_wait3A_138 = tpu.memref_slice %arg4[%add3A_108, %dma_wait3A_137] : memref<32768x128xf32, #tpu.memory_space<hbm>> -> memref<128x128xf32, #tpu.memory_space<hbm>>
    %dma_wait3A_139 = arith.constant 0 : i32
    %dma_wait3A_140 = tpu.memref_slice %arg4[%add3A_108, %dma_wait3A_139] : memref<32768x128xf32, #tpu.memory_space<hbm>> -> memref<128x128xf32, #tpu.memory_space<hbm>>
    tpu.wait_dma2 semaphore(%arg16 : memref<!tpu.dma_semaphore, #tpu.memory_space<semaphore_mem>>) src(%arg8 : memref<128x128xf32, #tpu.memory_space<vmem>>) dst(%dma_wait3A_140 : memref<128x128xf32, #tpu.memory_space<hbm>>)
    %dma_start3A_141 = arith.constant 6 : i32
    %dma_start3A_142 = arith.constant 0 : i32
    %dma_start3A_143 = tpu.memref_slice %arg5[%dma_start3A_141, %dma_start3A_142] : memref<8x128xi32, #tpu.memory_space<vmem>> -> memref<1x128xi32, #tpu.memory_space<vmem>>
    %dma_start3A_144 = tpu.memref_squeeze %dma_start3A_143 : memref<1x128xi32, #tpu.memory_space<vmem>> -> memref<128xi32, #tpu.memory_space<vmem>>
    %dma_start3A_145 = arith.constant 0 : i32
    %dma_start3A_146 = arith.constant 0 : i32
    %dma_start3A_147 = tpu.memref_slice %arg2[%dma_start3A_145, %dma_start3A_146] : memref<100000x128xf32, #tpu.memory_space<hbm>> -> memref<100000x128xf32, #tpu.memory_space<hbm>>
    tpu.enqueue_indirect_dma source(%dma_start3A_147 : memref<100000x128xf32, #tpu.memory_space<hbm>>) target(%arg8 : memref<128x128xf32, #tpu.memory_space<vmem>>) offsets(%dma_start3A_144 : memref<128xi32, #tpu.memory_space<vmem>>) semaphore(%arg12 : memref<!tpu.dma_semaphore, #tpu.memory_space<semaphore_mem>>)
    %dma_wait3A_148 = arith.constant 4 : i32
    %dma_wait3A_149 = arith.constant 0 : i32
    %dma_wait3A_150 = tpu.memref_slice %arg5[%dma_wait3A_148, %dma_wait3A_149] : memref<8x128xi32, #tpu.memory_space<vmem>> -> memref<1x128xi32, #tpu.memory_space<vmem>>
    %dma_wait3A_151 = tpu.memref_squeeze %dma_wait3A_150 : memref<1x128xi32, #tpu.memory_space<vmem>> -> memref<128xi32, #tpu.memory_space<vmem>>
    %dma_wait3A_152 = arith.constant 0 : i32
    %dma_wait3A_153 = arith.constant 0 : i32
    %dma_wait3A_154 = tpu.memref_slice %arg2[%dma_wait3A_152, %dma_wait3A_153] : memref<100000x128xf32, #tpu.memory_space<hbm>> -> memref<100000x128xf32, #tpu.memory_space<hbm>>
    tpu.wait_indirect_dma semaphore(%arg10 : memref<!tpu.dma_semaphore, #tpu.memory_space<semaphore_mem>>) src(%dma_wait3A_154 : memref<100000x128xf32, #tpu.memory_space<hbm>>) dst(%arg6 : memref<128x128xf32, #tpu.memory_space<vmem>>)
    %add3A_155 = arith.constant 512 : i32
    %add3A_156 = arith.addi %mul3A_36, %add3A_155 : i32
    %dma_start3A_157 = arith.constant 0 : i32
    %dma_start3A_158 = tpu.memref_slice %arg4[%add3A_156, %dma_start3A_157] : memref<32768x128xf32, #tpu.memory_space<hbm>> -> memref<128x128xf32, #tpu.memory_space<hbm>>
    %dma_start3A_159 = arith.constant 0 : i32
    %dma_start3A_160 = tpu.memref_slice %arg4[%add3A_156, %dma_start3A_159] : memref<32768x128xf32, #tpu.memory_space<hbm>> -> memref<128x128xf32, #tpu.memory_space<hbm>>
    tpu.enqueue_dma source(%arg6 : memref<128x128xf32, #tpu.memory_space<vmem>>) target(%dma_start3A_160 : memref<128x128xf32, #tpu.memory_space<hbm>>) target_semaphore(%arg14 : memref<!tpu.dma_semaphore, #tpu.memory_space<semaphore_mem>>)
    %dma_wait3A_161 = arith.constant 0 : i32
    %dma_wait3A_162 = tpu.memref_slice %arg4[%add3A_132, %dma_wait3A_161] : memref<32768x128xf32, #tpu.memory_space<hbm>> -> memref<128x128xf32, #tpu.memory_space<hbm>>
    %dma_wait3A_163 = arith.constant 0 : i32
    %dma_wait3A_164 = tpu.memref_slice %arg4[%add3A_132, %dma_wait3A_163] : memref<32768x128xf32, #tpu.memory_space<hbm>> -> memref<128x128xf32, #tpu.memory_space<hbm>>
    tpu.wait_dma2 semaphore(%arg17 : memref<!tpu.dma_semaphore, #tpu.memory_space<semaphore_mem>>) src(%arg9 : memref<128x128xf32, #tpu.memory_space<vmem>>) dst(%dma_wait3A_164 : memref<128x128xf32, #tpu.memory_space<hbm>>)
    %dma_start3A_165 = arith.constant 7 : i32
    %dma_start3A_166 = arith.constant 0 : i32
    %dma_start3A_167 = tpu.memref_slice %arg5[%dma_start3A_165, %dma_start3A_166] : memref<8x128xi32, #tpu.memory_space<vmem>> -> memref<1x128xi32, #tpu.memory_space<vmem>>
    %dma_start3A_168 = tpu.memref_squeeze %dma_start3A_167 : memref<1x128xi32, #tpu.memory_space<vmem>> -> memref<128xi32, #tpu.memory_space<vmem>>
    %dma_start3A_169 = arith.constant 0 : i32
    %dma_start3A_170 = arith.constant 0 : i32
    %dma_start3A_171 = tpu.memref_slice %arg2[%dma_start3A_169, %dma_start3A_170] : memref<100000x128xf32, #tpu.memory_space<hbm>> -> memref<100000x128xf32, #tpu.memory_space<hbm>>
    tpu.enqueue_indirect_dma source(%dma_start3A_171 : memref<100000x128xf32, #tpu.memory_space<hbm>>) target(%arg9 : memref<128x128xf32, #tpu.memory_space<vmem>>) offsets(%dma_start3A_168 : memref<128xi32, #tpu.memory_space<vmem>>) semaphore(%arg13 : memref<!tpu.dma_semaphore, #tpu.memory_space<semaphore_mem>>)
    %dma_wait3A_172 = arith.constant 5 : i32
    %dma_wait3A_173 = arith.constant 0 : i32
    %dma_wait3A_174 = tpu.memref_slice %arg5[%dma_wait3A_172, %dma_wait3A_173] : memref<8x128xi32, #tpu.memory_space<vmem>> -> memref<1x128xi32, #tpu.memory_space<vmem>>
    %dma_wait3A_175 = tpu.memref_squeeze %dma_wait3A_174 : memref<1x128xi32, #tpu.memory_space<vmem>> -> memref<128xi32, #tpu.memory_space<vmem>>
    %dma_wait3A_176 = arith.constant 0 : i32
    %dma_wait3A_177 = arith.constant 0 : i32
    %dma_wait3A_178 = tpu.memref_slice %arg2[%dma_wait3A_176, %dma_wait3A_177] : memref<100000x128xf32, #tpu.memory_space<hbm>> -> memref<100000x128xf32, #tpu.memory_space<hbm>>
    tpu.wait_indirect_dma semaphore(%arg11 : memref<!tpu.dma_semaphore, #tpu.memory_space<semaphore_mem>>) src(%dma_wait3A_178 : memref<100000x128xf32, #tpu.memory_space<hbm>>) dst(%arg7 : memref<128x128xf32, #tpu.memory_space<vmem>>)
    %add3A_179 = arith.constant 640 : i32
    %add3A_180 = arith.addi %mul3A_36, %add3A_179 : i32
    %dma_start3A_181 = arith.constant 0 : i32
    %dma_start3A_182 = tpu.memref_slice %arg4[%add3A_180, %dma_start3A_181] : memref<32768x128xf32, #tpu.memory_space<hbm>> -> memref<128x128xf32, #tpu.memory_space<hbm>>
    %dma_start3A_183 = arith.constant 0 : i32
    %dma_start3A_184 = tpu.memref_slice %arg4[%add3A_180, %dma_start3A_183] : memref<32768x128xf32, #tpu.memory_space<hbm>> -> memref<128x128xf32, #tpu.memory_space<hbm>>
    tpu.enqueue_dma source(%arg7 : memref<128x128xf32, #tpu.memory_space<vmem>>) target(%dma_start3A_184 : memref<128x128xf32, #tpu.memory_space<hbm>>) target_semaphore(%arg15 : memref<!tpu.dma_semaphore, #tpu.memory_space<semaphore_mem>>)
    %dma_wait3A_185 = arith.constant 6 : i32
    %dma_wait3A_186 = arith.constant 0 : i32
    %dma_wait3A_187 = tpu.memref_slice %arg5[%dma_wait3A_185, %dma_wait3A_186] : memref<8x128xi32, #tpu.memory_space<vmem>> -> memref<1x128xi32, #tpu.memory_space<vmem>>
    %dma_wait3A_188 = tpu.memref_squeeze %dma_wait3A_187 : memref<1x128xi32, #tpu.memory_space<vmem>> -> memref<128xi32, #tpu.memory_space<vmem>>
    %dma_wait3A_189 = arith.constant 0 : i32
    %dma_wait3A_190 = arith.constant 0 : i32
    %dma_wait3A_191 = tpu.memref_slice %arg2[%dma_wait3A_189, %dma_wait3A_190] : memref<100000x128xf32, #tpu.memory_space<hbm>> -> memref<100000x128xf32, #tpu.memory_space<hbm>>
    tpu.wait_indirect_dma semaphore(%arg12 : memref<!tpu.dma_semaphore, #tpu.memory_space<semaphore_mem>>) src(%dma_wait3A_191 : memref<100000x128xf32, #tpu.memory_space<hbm>>) dst(%arg8 : memref<128x128xf32, #tpu.memory_space<vmem>>)
    %add3A_192 = arith.constant 768 : i32
    %add3A_193 = arith.addi %mul3A_36, %add3A_192 : i32
    %dma_start3A_194 = arith.constant 0 : i32
    %dma_start3A_195 = tpu.memref_slice %arg4[%add3A_193, %dma_start3A_194] : memref<32768x128xf32, #tpu.memory_space<hbm>> -> memref<128x128xf32, #tpu.memory_space<hbm>>
    %dma_start3A_196 = arith.constant 0 : i32
    %dma_start3A_197 = tpu.memref_slice %arg4[%add3A_193, %dma_start3A_196] : memref<32768x128xf32, #tpu.memory_space<hbm>> -> memref<128x128xf32, #tpu.memory_space<hbm>>
    tpu.enqueue_dma source(%arg8 : memref<128x128xf32, #tpu.memory_space<vmem>>) target(%dma_start3A_197 : memref<128x128xf32, #tpu.memory_space<hbm>>) target_semaphore(%arg16 : memref<!tpu.dma_semaphore, #tpu.memory_space<semaphore_mem>>)
    %dma_wait3A_198 = arith.constant 7 : i32
    %dma_wait3A_199 = arith.constant 0 : i32
    %dma_wait3A_200 = tpu.memref_slice %arg5[%dma_wait3A_198, %dma_wait3A_199] : memref<8x128xi32, #tpu.memory_space<vmem>> -> memref<1x128xi32, #tpu.memory_space<vmem>>
    %dma_wait3A_201 = tpu.memref_squeeze %dma_wait3A_200 : memref<1x128xi32, #tpu.memory_space<vmem>> -> memref<128xi32, #tpu.memory_space<vmem>>
    %dma_wait3A_202 = arith.constant 0 : i32
    %dma_wait3A_203 = arith.constant 0 : i32
    %dma_wait3A_204 = tpu.memref_slice %arg2[%dma_wait3A_202, %dma_wait3A_203] : memref<100000x128xf32, #tpu.memory_space<hbm>> -> memref<100000x128xf32, #tpu.memory_space<hbm>>
    tpu.wait_indirect_dma semaphore(%arg13 : memref<!tpu.dma_semaphore, #tpu.memory_space<semaphore_mem>>) src(%dma_wait3A_204 : memref<100000x128xf32, #tpu.memory_space<hbm>>) dst(%arg9 : memref<128x128xf32, #tpu.memory_space<vmem>>)
    %add3A_205 = arith.constant 896 : i32
    %add3A_206 = arith.addi %mul3A_36, %add3A_205 : i32
    %dma_start3A_207 = arith.constant 0 : i32
    %dma_start3A_208 = tpu.memref_slice %arg4[%add3A_206, %dma_start3A_207] : memref<32768x128xf32, #tpu.memory_space<hbm>> -> memref<128x128xf32, #tpu.memory_space<hbm>>
    %dma_start3A_209 = arith.constant 0 : i32
    %dma_start3A_210 = tpu.memref_slice %arg4[%add3A_206, %dma_start3A_209] : memref<32768x128xf32, #tpu.memory_space<hbm>> -> memref<128x128xf32, #tpu.memory_space<hbm>>
    tpu.enqueue_dma source(%arg9 : memref<128x128xf32, #tpu.memory_space<vmem>>) target(%dma_start3A_210 : memref<128x128xf32, #tpu.memory_space<hbm>>) target_semaphore(%arg17 : memref<!tpu.dma_semaphore, #tpu.memory_space<semaphore_mem>>)
    %dma_wait3A_211 = arith.constant 0 : i32
    %dma_wait3A_212 = tpu.memref_slice %arg4[%add3A_156, %dma_wait3A_211] : memref<32768x128xf32, #tpu.memory_space<hbm>> -> memref<128x128xf32, #tpu.memory_space<hbm>>
    %dma_wait3A_213 = arith.constant 0 : i32
    %dma_wait3A_214 = tpu.memref_slice %arg4[%add3A_156, %dma_wait3A_213] : memref<32768x128xf32, #tpu.memory_space<hbm>> -> memref<128x128xf32, #tpu.memory_space<hbm>>
    tpu.wait_dma2 semaphore(%arg14 : memref<!tpu.dma_semaphore, #tpu.memory_space<semaphore_mem>>) src(%arg6 : memref<128x128xf32, #tpu.memory_space<vmem>>) dst(%dma_wait3A_214 : memref<128x128xf32, #tpu.memory_space<hbm>>)
    %dma_wait3A_215 = arith.constant 0 : i32
    %dma_wait3A_216 = tpu.memref_slice %arg4[%add3A_180, %dma_wait3A_215] : memref<32768x128xf32, #tpu.memory_space<hbm>> -> memref<128x128xf32, #tpu.memory_space<hbm>>
    %dma_wait3A_217 = arith.constant 0 : i32
    %dma_wait3A_218 = tpu.memref_slice %arg4[%add3A_180, %dma_wait3A_217] : memref<32768x128xf32, #tpu.memory_space<hbm>> -> memref<128x128xf32, #tpu.memory_space<hbm>>
    tpu.wait_dma2 semaphore(%arg15 : memref<!tpu.dma_semaphore, #tpu.memory_space<semaphore_mem>>) src(%arg7 : memref<128x128xf32, #tpu.memory_space<vmem>>) dst(%dma_wait3A_218 : memref<128x128xf32, #tpu.memory_space<hbm>>)
    %dma_wait3A_219 = arith.constant 0 : i32
    %dma_wait3A_220 = tpu.memref_slice %arg4[%add3A_193, %dma_wait3A_219] : memref<32768x128xf32, #tpu.memory_space<hbm>> -> memref<128x128xf32, #tpu.memory_space<hbm>>
    %dma_wait3A_221 = arith.constant 0 : i32
    %dma_wait3A_222 = tpu.memref_slice %arg4[%add3A_193, %dma_wait3A_221] : memref<32768x128xf32, #tpu.memory_space<hbm>> -> memref<128x128xf32, #tpu.memory_space<hbm>>
    tpu.wait_dma2 semaphore(%arg16 : memref<!tpu.dma_semaphore, #tpu.memory_space<semaphore_mem>>) src(%arg8 : memref<128x128xf32, #tpu.memory_space<vmem>>) dst(%dma_wait3A_222 : memref<128x128xf32, #tpu.memory_space<hbm>>)
    %dma_wait3A_223 = arith.constant 0 : i32
    %dma_wait3A_224 = tpu.memref_slice %arg4[%add3A_206, %dma_wait3A_223] : memref<32768x128xf32, #tpu.memory_space<hbm>> -> memref<128x128xf32, #tpu.memory_space<hbm>>
    %dma_wait3A_225 = arith.constant 0 : i32
    %dma_wait3A_226 = tpu.memref_slice %arg4[%add3A_206, %dma_wait3A_225] : memref<32768x128xf32, #tpu.memory_space<hbm>> -> memref<128x128xf32, #tpu.memory_space<hbm>>
    tpu.wait_dma2 semaphore(%arg17 : memref<!tpu.dma_semaphore, #tpu.memory_space<semaphore_mem>>) src(%arg9 : memref<128x128xf32, #tpu.memory_space<vmem>>) dst(%dma_wait3A_226 : memref<128x128xf32, #tpu.memory_space<hbm>>)
    return
  }
}

module attributes {stable_mosaic.version = 14 : i64} {
  func.func @_stage2_body(%arg0: i32, %arg1: memref<32768x128xf32, #tpu.memory_space<any>>, %arg2: memref<128x128xf32, #tpu.memory_space<vmem>>, %arg3: memref<128x1xf32, #tpu.memory_space<vmem>>, %arg4: memref<2048x128xf32, #tpu.memory_space<vmem>>, %arg5: memref<2048x128xf32, #tpu.memory_space<vmem>>, %arg6: memref<128x128xf32, #tpu.memory_space<vmem>>, %arg7: memref<1x128xf32, #tpu.memory_space<vmem>>, %arg8: memref<128x128xf32, #tpu.memory_space<vmem>>, %arg9: memref<1x128xf32, #tpu.memory_space<vmem>>, %arg10: memref<128x128xf32, #tpu.memory_space<vmem>>, %arg11: memref<1x128xf32, #tpu.memory_space<vmem>>, %arg12: memref<128x128xf32, #tpu.memory_space<vmem>>, %arg13: memref<2x2048x128xf32, #tpu.memory_space<vmem>>, %arg14: memref<2x!tpu.dma_semaphore, #tpu.memory_space<semaphore_mem>>) attributes {dimension_semantics = [#tpu.dimension_semantics<arbitrary>], iteration_bounds = array<i64: 16>, scalar_prefetch = 0 : i64, scratch_operands = 2 : i64, tpu.core_type = #tpu.core_type<tc>, window_params = [{}, {transform_indices = @transform_1, window_bounds = array<i64: 128, 128>}, {transform_indices = @transform_2, window_bounds = array<i64: 128, 1>}, {pipeline_mode = #tpu.pipeline_mode<synchronous>, transform_indices = @transform_3, window_bounds = array<i64: 2048, 128>}, {pipeline_mode = #tpu.pipeline_mode<synchronous>, transform_indices = @transform_4, window_bounds = array<i64: 2048, 128>}, {pipeline_mode = #tpu.pipeline_mode<synchronous>, transform_indices = @transform_5, window_bounds = array<i64: 128, 128>}, {pipeline_mode = #tpu.pipeline_mode<synchronous>, transform_indices = @transform_6, window_bounds = array<i64: 1, 128>}, {pipeline_mode = #tpu.pipeline_mode<synchronous>, transform_indices = @transform_7, window_bounds = array<i64: 128, 128>}, {pipeline_mode = #tpu.pipeline_mode<synchronous>, transform_indices = @transform_8, window_bounds = array<i64: 1, 128>}, {pipeline_mode = #tpu.pipeline_mode<synchronous>, transform_indices = @transform_9, window_bounds = array<i64: 128, 128>}, {pipeline_mode = #tpu.pipeline_mode<synchronous>, transform_indices = @transform_10, window_bounds = array<i64: 1, 128>}, {transform_indices = @transform_11, window_bounds = array<i64: 128, 128>}]} {
    %rem3A = arith.constant 2 : i32
    %rem3A_0 = arith.remsi %arg0, %rem3A : i32
    %add3A = arith.constant 1 : i32
    %add3A_1 = arith.addi %arg0, %add3A : i32
    %rem3A_2 = arith.constant 2 : i32
    %rem3A_3 = arith.remsi %add3A_1, %rem3A_2 : i32
    %eq3A = arith.constant 0 : i32
    %eq3A_4 = arith.cmpi eq, %arg0, %eq3A : i32
    %convert_element_type3A = arith.extui %eq3A_4 : i1 to i32
    %cond3A = arith.constant 0 : i32
    %cond3A_5 = arith.cmpi ne, %convert_element_type3A, %cond3A : i32
    scf.if %cond3A_5 {
      %dma_start3A = arith.constant 0 : i32
      %dma_start3A_86 = arith.constant 0 : i32
      %dma_start3A_87 = tpu.memref_slice %arg14[%dma_start3A_86] : memref<2x!tpu.dma_semaphore, #tpu.memory_space<semaphore_mem>> -> memref<1x!tpu.dma_semaphore, #tpu.memory_space<semaphore_mem>>
      %dma_start3A_88 = tpu.memref_squeeze %dma_start3A_87 : memref<1x!tpu.dma_semaphore, #tpu.memory_space<semaphore_mem>> -> memref<!tpu.dma_semaphore, #tpu.memory_space<semaphore_mem>>
      %dma_start3A_89 = arith.constant 0 : i32
      %dma_start3A_90 = arith.constant 0 : i32
      %dma_start3A_91 = tpu.memref_slice %arg13[%dma_start3A, %dma_start3A_89, %dma_start3A_90] : memref<2x2048x128xf32, #tpu.memory_space<vmem>> -> memref<1x2048x128xf32, #tpu.memory_space<vmem>>
      %dma_start3A_92 = tpu.memref_squeeze %dma_start3A_91 : memref<1x2048x128xf32, #tpu.memory_space<vmem>> -> memref<2048x128xf32, #tpu.memory_space<vmem>>
      %dma_start3A_93 = arith.constant 0 : i32
      %dma_start3A_94 = arith.constant 0 : i32
      %dma_start3A_95 = tpu.memref_slice %arg1[%dma_start3A_93, %dma_start3A_94] : memref<32768x128xf32, #tpu.memory_space<any>> -> memref<2048x128xf32, #tpu.memory_space<any>>
      tpu.enqueue_dma source(%dma_start3A_95 : memref<2048x128xf32, #tpu.memory_space<any>>) target(%dma_start3A_92 : memref<2048x128xf32, #tpu.memory_space<vmem>>) target_semaphore(%dma_start3A_88 : memref<!tpu.dma_semaphore, #tpu.memory_space<semaphore_mem>>)
    } else {
    }
    %add3A_6 = arith.constant 1 : i32
    %add3A_7 = arith.addi %arg0, %add3A_6 : i32
    %lt3A = arith.constant 16 : i32
    %lt3A_8 = arith.cmpi slt, %add3A_7, %lt3A : i32
    %convert_element_type3A_9 = arith.extui %lt3A_8 : i1 to i32
    %cond3A_10 = arith.constant 0 : i32
    %cond3A_11 = arith.cmpi ne, %convert_element_type3A_9, %cond3A_10 : i32
    scf.if %cond3A_11 {
      %add3A_86 = arith.constant 1 : i32
      %add3A_87 = arith.addi %arg0, %add3A_86 : i32
      %mul3A_88 = arith.constant 2048 : i32
      %mul3A_89 = arith.muli %add3A_87, %mul3A_88 : i32
      %dma_start3A = tpu.memref_slice %arg14[%rem3A_3] : memref<2x!tpu.dma_semaphore, #tpu.memory_space<semaphore_mem>> -> memref<1x!tpu.dma_semaphore, #tpu.memory_space<semaphore_mem>>
      %dma_start3A_90 = tpu.memref_squeeze %dma_start3A : memref<1x!tpu.dma_semaphore, #tpu.memory_space<semaphore_mem>> -> memref<!tpu.dma_semaphore, #tpu.memory_space<semaphore_mem>>
      %dma_start3A_91 = arith.constant 0 : i32
      %dma_start3A_92 = arith.constant 0 : i32
      %dma_start3A_93 = tpu.memref_slice %arg13[%rem3A_3, %dma_start3A_91, %dma_start3A_92] : memref<2x2048x128xf32, #tpu.memory_space<vmem>> -> memref<1x2048x128xf32, #tpu.memory_space<vmem>>
      %dma_start3A_94 = tpu.memref_squeeze %dma_start3A_93 : memref<1x2048x128xf32, #tpu.memory_space<vmem>> -> memref<2048x128xf32, #tpu.memory_space<vmem>>
      %dma_start3A_95 = arith.constant 0 : i32
      %dma_start3A_96 = tpu.memref_slice %arg1[%mul3A_89, %dma_start3A_95] : memref<32768x128xf32, #tpu.memory_space<any>> -> memref<2048x128xf32, #tpu.memory_space<any>>
      tpu.enqueue_dma source(%dma_start3A_96 : memref<2048x128xf32, #tpu.memory_space<any>>) target(%dma_start3A_94 : memref<2048x128xf32, #tpu.memory_space<vmem>>) target_semaphore(%dma_start3A_90 : memref<!tpu.dma_semaphore, #tpu.memory_space<semaphore_mem>>)
    } else {
    }
    %mul3A = arith.constant 2048 : i32
    %mul3A_12 = arith.muli %arg0, %mul3A : i32
    %dma_wait3A = tpu.memref_slice %arg14[%rem3A_0] : memref<2x!tpu.dma_semaphore, #tpu.memory_space<semaphore_mem>> -> memref<1x!tpu.dma_semaphore, #tpu.memory_space<semaphore_mem>>
    %dma_wait3A_13 = tpu.memref_squeeze %dma_wait3A : memref<1x!tpu.dma_semaphore, #tpu.memory_space<semaphore_mem>> -> memref<!tpu.dma_semaphore, #tpu.memory_space<semaphore_mem>>
    %dma_wait3A_14 = arith.constant 0 : i32
    %dma_wait3A_15 = arith.constant 0 : i32
    %dma_wait3A_16 = tpu.memref_slice %arg13[%rem3A_0, %dma_wait3A_14, %dma_wait3A_15] : memref<2x2048x128xf32, #tpu.memory_space<vmem>> -> memref<1x2048x128xf32, #tpu.memory_space<vmem>>
    %dma_wait3A_17 = tpu.memref_squeeze %dma_wait3A_16 : memref<1x2048x128xf32, #tpu.memory_space<vmem>> -> memref<2048x128xf32, #tpu.memory_space<vmem>>
    %dma_wait3A_18 = arith.constant 0 : i32
    %dma_wait3A_19 = tpu.memref_slice %arg1[%mul3A_12, %dma_wait3A_18] : memref<32768x128xf32, #tpu.memory_space<any>> -> memref<2048x128xf32, #tpu.memory_space<any>>
    tpu.wait_dma2 semaphore(%dma_wait3A_13 : memref<!tpu.dma_semaphore, #tpu.memory_space<semaphore_mem>>) src(%dma_wait3A_19 : memref<2048x128xf32, #tpu.memory_space<any>>) dst(%dma_wait3A_17 : memref<2048x128xf32, #tpu.memory_space<vmem>>)
    %get3A = arith.index_cast %rem3A_0 : i32 to index
    %get3A_20 = arith.constant 0 : index
    %get3A_21 = arith.constant 0 : index
    %get3A_22 = vector.load %arg13[%get3A, %get3A_20, %get3A_21] : memref<2x2048x128xf32, #tpu.memory_space<vmem>>, vector<1x2048x128xf32>
    %get3A_23 = vector.shape_cast %get3A_22 : vector<1x2048x128xf32> to vector<2048x128xf32>
    %get3A_24 = arith.constant 0 : index
    %get3A_25 = arith.constant 0 : index
    %get3A_26 = vector.load %arg6[%get3A_24, %get3A_25] : memref<128x128xf32, #tpu.memory_space<vmem>>, vector<128x128xf32>
    %get3A_27 = arith.constant 0 : index
    %get3A_28 = arith.constant 0 : index
    %get3A_29 = vector.load %arg7[%get3A_27, %get3A_28] : memref<1x128xf32, #tpu.memory_space<vmem>>, vector<1x128xf32>
    %dot_general3A = arith.constant dense<0.000000e+00> : vector<2048x128xf32>
    %dot_general3A_30 = tpu.matmul %get3A_23, %get3A_26, %dot_general3A {dimension_numbers = #tpu.dot_dimension_numbers<[1], [1], [0], [0], [0, 0, 1, 0], [], []>, transpose_lhs_hint = false} : vector<2048x128xf32>, vector<128x128xf32>, vector<2048x128xf32> -> vector<2048x128xf32>
    %add3A_31 = vector.broadcast %get3A_29 : vector<1x128xf32> to vector<2048x128xf32>
    %add3A_32 = arith.addf %dot_general3A_30, %add3A_31 : vector<2048x128xf32>
    %get3A_33 = arith.constant 0 : index
    %get3A_34 = arith.constant 0 : index
    %get3A_35 = vector.load %arg4[%get3A_33, %get3A_34] : memref<2048x128xf32, #tpu.memory_space<vmem>>, vector<2048x128xf32>
    %sub3A = arith.subf %get3A_35, %add3A_32 : vector<2048x128xf32>
    %max3A = arith.constant 0.000000e+00 : f32
    %max3A_36 = vector.broadcast %max3A : f32 to vector<2048x128xf32>
    %max3A_37 = arith.maximumf %sub3A, %max3A_36 : vector<2048x128xf32>
    %get3A_38 = arith.constant 0 : index
    %get3A_39 = arith.constant 0 : index
    %get3A_40 = vector.load %arg8[%get3A_38, %get3A_39] : memref<128x128xf32, #tpu.memory_space<vmem>>, vector<128x128xf32>
    %get3A_41 = arith.constant 0 : index
    %get3A_42 = arith.constant 0 : index
    %get3A_43 = vector.load %arg9[%get3A_41, %get3A_42] : memref<1x128xf32, #tpu.memory_space<vmem>>, vector<1x128xf32>
    %dot_general3A_44 = arith.constant dense<0.000000e+00> : vector<2048x128xf32>
    %dot_general3A_45 = tpu.matmul %max3A_37, %get3A_40, %dot_general3A_44 {dimension_numbers = #tpu.dot_dimension_numbers<[1], [1], [0], [0], [0, 0, 1, 0], [], []>, transpose_lhs_hint = false} : vector<2048x128xf32>, vector<128x128xf32>, vector<2048x128xf32> -> vector<2048x128xf32>
    %add3A_46 = vector.broadcast %get3A_43 : vector<1x128xf32> to vector<2048x128xf32>
    %add3A_47 = arith.addf %dot_general3A_45, %add3A_46 : vector<2048x128xf32>
    %get3A_48 = arith.constant 0 : index
    %get3A_49 = arith.constant 0 : index
    %get3A_50 = vector.load %arg10[%get3A_48, %get3A_49] : memref<128x128xf32, #tpu.memory_space<vmem>>, vector<128x128xf32>
    %get3A_51 = arith.constant 0 : index
    %get3A_52 = arith.constant 0 : index
    %get3A_53 = vector.load %arg11[%get3A_51, %get3A_52] : memref<1x128xf32, #tpu.memory_space<vmem>>, vector<1x128xf32>
    %dot_general3A_54 = arith.constant dense<0.000000e+00> : vector<2048x128xf32>
    %dot_general3A_55 = tpu.matmul %add3A_47, %get3A_50, %dot_general3A_54 {dimension_numbers = #tpu.dot_dimension_numbers<[1], [1], [0], [0], [0, 0, 1, 0], [], []>, transpose_lhs_hint = false} : vector<2048x128xf32>, vector<128x128xf32>, vector<2048x128xf32> -> vector<2048x128xf32>
    %add3A_56 = vector.broadcast %get3A_53 : vector<1x128xf32> to vector<2048x128xf32>
    %add3A_57 = arith.addf %dot_general3A_55, %add3A_56 : vector<2048x128xf32>
    %mul3A_58 = arith.mulf %add3A_57, %add3A_57 : vector<2048x128xf32>
    %reduce_sum3A = arith.constant dense<0.000000e+00> : vector<2048xf32>
    %reduce_sum3A_59 = vector.multi_reduction <add>, %mul3A_58, %reduce_sum3A [1] : vector<2048x128xf32> to vector<2048xf32>
    %broadcast_in_dim3A = vector.shape_cast %reduce_sum3A_59 : vector<2048xf32> to vector<2048x1xf32>
    %rsqrt3A = math.rsqrt %broadcast_in_dim3A : vector<2048x1xf32>
    %mul3A_60 = vector.broadcast %rsqrt3A : vector<2048x1xf32> to vector<2048x128xf32>
    %mul3A_61 = arith.mulf %add3A_57, %mul3A_60 : vector<2048x128xf32>
    %get3A_62 = arith.constant 0 : index
    %get3A_63 = arith.constant 0 : index
    %get3A_64 = vector.load %arg5[%get3A_62, %get3A_63] : memref<2048x128xf32, #tpu.memory_space<vmem>>, vector<2048x128xf32>
    %get3A_65 = arith.constant 0 : index
    %get3A_66 = arith.constant 0 : index
    %get3A_67 = vector.load %arg2[%get3A_65, %get3A_66] : memref<128x128xf32, #tpu.memory_space<vmem>>, vector<128x128xf32>
    %dot_general3A_68 = arith.constant dense<0.000000e+00> : vector<2048x128xf32>
    %dot_general3A_69 = tpu.matmul %get3A_64, %get3A_67, %dot_general3A_68 {dimension_numbers = #tpu.dot_dimension_numbers<[1], [0], [0], [1], [0, 0, 1, 1], [], []>, transpose_lhs_hint = false} : vector<2048x128xf32>, vector<128x128xf32>, vector<2048x128xf32> -> vector<2048x128xf32>
    %mul3A_70 = arith.mulf %mul3A_61, %dot_general3A_69 : vector<2048x128xf32>
    %reshape3A = vector.shape_cast %mul3A_70 : vector<2048x128xf32> to vector<128x16x128xf32>
    %reduce_sum3A_71 = arith.constant dense<0.000000e+00> : vector<128x16xf32>
    %reduce_sum3A_72 = vector.multi_reduction <add>, %reshape3A, %reduce_sum3A_71 [2] : vector<128x16x128xf32> to vector<128x16xf32>
    %get3A_73 = arith.constant 0 : index
    %get3A_74 = arith.constant 0 : index
    %get3A_75 = vector.load %arg3[%get3A_73, %get3A_74] : memref<128x1xf32, #tpu.memory_space<vmem>>, vector<128x1xf32>
    %swap3A = arith.constant 0 : index
    %swap3A_76 = arith.constant 0 : index
    %swap3A_77 = vector.load %arg12[%swap3A, %swap3A_76] : memref<128x128xf32, #tpu.memory_space<vmem>>, vector<128x1xf32>
    tpu.vector_store %arg12[%swap3A, %swap3A_76], %get3A_75 {strides = array<i32>} : memref<128x128xf32, #tpu.memory_space<vmem>>, vector<128x1xf32>,
    %sub3A_78 = arith.constant 1.000000e+00 : f32
    %sub3A_79 = vector.broadcast %sub3A_78 : f32 to vector<128x16xf32>
    %sub3A_80 = arith.subf %reduce_sum3A_72, %sub3A_79 : vector<128x16xf32>
    %div3A = arith.constant 7.000000e-02 : f32
    %div3A_81 = vector.broadcast %div3A : f32 to vector<128x16xf32>
    %div3A_82 = arith.divf %sub3A_80, %div3A_81 : vector<128x16xf32>
    %exp3A = math.exp %div3A_82 : vector<128x16xf32>
    %swap3A_83 = arith.constant 0 : index
    %swap3A_84 = arith.constant 1 : index
    %swap3A_85 = vector.load %arg12[%swap3A_83, %swap3A_84] : memref<128x128xf32, #tpu.memory_space<vmem>>, vector<128x16xf32>
    tpu.vector_store %arg12[%swap3A_83, %swap3A_84], %exp3A {strides = array<i32>} : memref<128x128xf32, #tpu.memory_space<vmem>>, vector<128x16xf32>,
    return
  }
  func.func @transform_1(%arg0: i32) -> (i32, i32) {
    %add3A = arith.constant 16 : i32
    %add3A_0 = arith.addi %arg0, %add3A : i32
    %c0_i32 = arith.constant 0 : i32
    %c0_i32_1 = arith.constant 0 : i32
    return %add3A_0, %c0_i32 : i32, i32
  }
  func.func @transform_2(%arg0: i32) -> (i32, i32) {
    %add3A = arith.constant 16 : i32
    %add3A_0 = arith.addi %arg0, %add3A : i32
    %c0_i32 = arith.constant 0 : i32
    %c0_i32_1 = arith.constant 0 : i32
    return %add3A_0, %c0_i32 : i32, i32
  }
  func.func @transform_3(%arg0: i32) -> (i32, i32) {
    %c0_i32 = arith.constant 0 : i32
    %c0_i32_0 = arith.constant 0 : i32
    %c0_i32_1 = arith.constant 0 : i32
    return %c0_i32, %c0_i32_0 : i32, i32
  }
  func.func @transform_4(%arg0: i32) -> (i32, i32) {
    %c0_i32 = arith.constant 0 : i32
    %c0_i32_0 = arith.constant 0 : i32
    %c0_i32_1 = arith.constant 0 : i32
    return %c0_i32, %c0_i32_0 : i32, i32
  }
  func.func @transform_5(%arg0: i32) -> (i32, i32) {
    %c0_i32 = arith.constant 0 : i32
    %c0_i32_0 = arith.constant 0 : i32
    %c0_i32_1 = arith.constant 0 : i32
    return %c0_i32, %c0_i32_0 : i32, i32
  }
  func.func @transform_6(%arg0: i32) -> (i32, i32) {
    %c0_i32 = arith.constant 0 : i32
    %c0_i32_0 = arith.constant 0 : i32
    %c0_i32_1 = arith.constant 0 : i32
    return %c0_i32, %c0_i32_0 : i32, i32
  }
  func.func @transform_7(%arg0: i32) -> (i32, i32) {
    %c0_i32 = arith.constant 0 : i32
    %c0_i32_0 = arith.constant 0 : i32
    %c0_i32_1 = arith.constant 0 : i32
    return %c0_i32, %c0_i32_0 : i32, i32
  }
  func.func @transform_8(%arg0: i32) -> (i32, i32) {
    %c0_i32 = arith.constant 0 : i32
    %c0_i32_0 = arith.constant 0 : i32
    %c0_i32_1 = arith.constant 0 : i32
    return %c0_i32, %c0_i32_0 : i32, i32
  }
  func.func @transform_9(%arg0: i32) -> (i32, i32) {
    %c0_i32 = arith.constant 0 : i32
    %c0_i32_0 = arith.constant 0 : i32
    %c0_i32_1 = arith.constant 0 : i32
    return %c0_i32, %c0_i32_0 : i32, i32
  }
  func.func @transform_10(%arg0: i32) -> (i32, i32) {
    %c0_i32 = arith.constant 0 : i32
    %c0_i32_0 = arith.constant 0 : i32
    %c0_i32_1 = arith.constant 0 : i32
    return %c0_i32, %c0_i32_0 : i32, i32
  }
  func.func @transform_11(%arg0: i32) -> (i32, i32) {
    %c0_i32 = arith.constant 0 : i32
    %c0_i32_0 = arith.constant 0 : i32
    return %arg0, %c0_i32 : i32, i32
  }
}

module attributes {stable_mosaic.version = 14 : i64} {
  func.func @_stage1_body(%arg0: memref<64x256xf32, #tpu.memory_space<vmem>>, %arg1: memref<64x256xf32, #tpu.memory_space<vmem>>, %arg2: memref<128x256xf32, #tpu.memory_space<vmem>>, %arg3: memref<1x128xf32, #tpu.memory_space<vmem>>, %arg4: memref<128x256xf32, #tpu.memory_space<vmem>>, %arg5: memref<1x128xf32, #tpu.memory_space<vmem>>, %arg6: memref<128x128xf32, #tpu.memory_space<vmem>>, %arg7: memref<1x128xf32, #tpu.memory_space<vmem>>, %arg8: memref<128x128xf32, #tpu.memory_space<vmem>>, %arg9: memref<1x128xf32, #tpu.memory_space<vmem>>, %arg10: memref<128x128xf32, #tpu.memory_space<vmem>>, %arg11: memref<1x128xf32, #tpu.memory_space<vmem>>, %arg12: memref<128x128xf32, #tpu.memory_space<vmem>>, %arg13: memref<1x128xf32, #tpu.memory_space<vmem>>, %arg14: memref<128x128xf32, #tpu.memory_space<vmem>>, %arg15: memref<1x128xf32, #tpu.memory_space<vmem>>, %arg16: memref<128x128xf32, #tpu.memory_space<vmem>>, %arg17: memref<1x128xf32, #tpu.memory_space<vmem>>, %arg18: memref<128x128xf32, #tpu.memory_space<vmem>>, %arg19: memref<1x128xf32, #tpu.memory_space<vmem>>, %arg20: memref<128x128xf32, #tpu.memory_space<vmem>>, %arg21: memref<1x128xf32, #tpu.memory_space<vmem>>, %arg22: memref<4096x128xf32, #tpu.memory_space<vmem>>, %arg23: memref<2048x128xf32, #tpu.memory_space<vmem>>, %arg24: memref<4096x1xf32, #tpu.memory_space<vmem>>, %arg25: memref<2048x128xf32, #tpu.memory_space<vmem>>) attributes {dimension_semantics = [], scalar_prefetch = 0 : i64, scratch_operands = 0 : i64, tpu.core_type = #tpu.core_type<tc>} {
    %iota3A = tpu.iota {dimensions = array<i32: 0>} : vector<2048x128xi32>
    %jit3A = arith.constant 16 : i32
    %div3A = vector.broadcast %jit3A : i32 to vector<2048x128xi32>
    %div3A_0 = arith.divsi %iota3A, %div3A : vector<2048x128xi32>
    %sign3A = arith.constant 0 : i32
    %sign3A_1 = vector.broadcast %sign3A : i32 to vector<2048x128xi32>
    %sign3A_2 = arith.cmpi sgt, %iota3A, %sign3A_1 : vector<2048x128xi32>
    %sign3A_3 = arith.extui %sign3A_2 : vector<2048x128xi1> to vector<2048x128xi32>
    %sign3A_4 = arith.constant 0 : i32
    %sign3A_5 = vector.broadcast %sign3A_4 : i32 to vector<2048x128xi32>
    %sign3A_6 = arith.cmpi slt, %iota3A, %sign3A_5 : vector<2048x128xi32>
    %sign3A_7 = arith.extui %sign3A_6 : vector<2048x128xi1> to vector<2048x128xi32>
    %sign3A_8 = arith.subi %sign3A_3, %sign3A_7 : vector<2048x128xi32>
    %sign3A_9 = arith.constant 0 : i32
    %sign3A_10 = arith.cmpi sgt, %jit3A, %sign3A_9 : i32
    %sign3A_11 = arith.extui %sign3A_10 : i1 to i32
    %sign3A_12 = arith.constant 0 : i32
    %sign3A_13 = arith.cmpi slt, %jit3A, %sign3A_12 : i32
    %sign3A_14 = arith.extui %sign3A_13 : i1 to i32
    %sign3A_15 = arith.subi %sign3A_11, %sign3A_14 : i32
    %ne3A = vector.broadcast %sign3A_15 : i32 to vector<2048x128xi32>
    %ne3A_16 = arith.cmpi ne, %sign3A_8, %ne3A : vector<2048x128xi32>
    %rem3A = vector.broadcast %jit3A : i32 to vector<2048x128xi32>
    %rem3A_17 = arith.remsi %iota3A, %rem3A : vector<2048x128xi32>
    %ne3A_18 = arith.constant 0 : i32
    %ne3A_19 = vector.broadcast %ne3A_18 : i32 to vector<2048x128xi32>
    %ne3A_20 = arith.cmpi ne, %rem3A_17, %ne3A_19 : vector<2048x128xi32>
    %and3A = arith.andi %ne3A_16, %ne3A_20 : vector<2048x128xi1>
    %sub3A = arith.constant 1 : i32
    %sub3A_21 = vector.broadcast %sub3A : i32 to vector<2048x128xi32>
    %sub3A_22 = arith.subi %div3A_0, %sub3A_21 : vector<2048x128xi32>
    %select_n3A = arith.select %and3A, %sub3A_22, %div3A_0 : vector<2048x128xi1>, vector<2048x128xi32>
    %iota3A_23 = tpu.iota {dimensions = array<i32: 1>} : vector<2048x128xi32>
    %eq3A = arith.cmpi eq, %select_n3A, %iota3A_23 : vector<2048x128xi32>
    %convert_element_type3A = arith.extui %eq3A : vector<2048x128xi1> to vector<2048x128xi32>
    %convert_element_type3A_24 = arith.sitofp %convert_element_type3A : vector<2048x128xi32> to vector<2048x128xf32>
    %swap3A = arith.constant 0 : index
    %swap3A_25 = arith.constant 0 : index
    %swap3A_26 = vector.load %arg25[%swap3A, %swap3A_25] : memref<2048x128xf32, #tpu.memory_space<vmem>>, vector<2048x128xf32>
    tpu.vector_store %arg25[%swap3A, %swap3A_25], %convert_element_type3A_24 {strides = array<i32>} : memref<2048x128xf32, #tpu.memory_space<vmem>>, vector<2048x128xf32>,
    %iota3A_27 = tpu.iota {dimensions = array<i32: 0>} : vector<2048x64xi32>
    %jit3A_28 = arith.constant 16 : i32
    %div3A_29 = vector.broadcast %jit3A_28 : i32 to vector<2048x64xi32>
    %div3A_30 = arith.divsi %iota3A_27, %div3A_29 : vector<2048x64xi32>
    %sign3A_31 = arith.constant 0 : i32
    %sign3A_32 = vector.broadcast %sign3A_31 : i32 to vector<2048x64xi32>
    %sign3A_33 = arith.cmpi sgt, %iota3A_27, %sign3A_32 : vector<2048x64xi32>
    %sign3A_34 = arith.extui %sign3A_33 : vector<2048x64xi1> to vector<2048x64xi32>
    %sign3A_35 = arith.constant 0 : i32
    %sign3A_36 = vector.broadcast %sign3A_35 : i32 to vector<2048x64xi32>
    %sign3A_37 = arith.cmpi slt, %iota3A_27, %sign3A_36 : vector<2048x64xi32>
    %sign3A_38 = arith.extui %sign3A_37 : vector<2048x64xi1> to vector<2048x64xi32>
    %sign3A_39 = arith.subi %sign3A_34, %sign3A_38 : vector<2048x64xi32>
    %sign3A_40 = arith.constant 0 : i32
    %sign3A_41 = arith.cmpi sgt, %jit3A_28, %sign3A_40 : i32
    %sign3A_42 = arith.extui %sign3A_41 : i1 to i32
    %sign3A_43 = arith.constant 0 : i32
    %sign3A_44 = arith.cmpi slt, %jit3A_28, %sign3A_43 : i32
    %sign3A_45 = arith.extui %sign3A_44 : i1 to i32
    %sign3A_46 = arith.subi %sign3A_42, %sign3A_45 : i32
    %ne3A_47 = vector.broadcast %sign3A_46 : i32 to vector<2048x64xi32>
    %ne3A_48 = arith.cmpi ne, %sign3A_39, %ne3A_47 : vector<2048x64xi32>
    %rem3A_49 = vector.broadcast %jit3A_28 : i32 to vector<2048x64xi32>
    %rem3A_50 = arith.remsi %iota3A_27, %rem3A_49 : vector<2048x64xi32>
    %ne3A_51 = arith.constant 0 : i32
    %ne3A_52 = vector.broadcast %ne3A_51 : i32 to vector<2048x64xi32>
    %ne3A_53 = arith.cmpi ne, %rem3A_50, %ne3A_52 : vector<2048x64xi32>
    %and3A_54 = arith.andi %ne3A_48, %ne3A_53 : vector<2048x64xi1>
    %sub3A_55 = arith.constant 1 : i32
    %sub3A_56 = vector.broadcast %sub3A_55 : i32 to vector<2048x64xi32>
    %sub3A_57 = arith.subi %div3A_30, %sub3A_56 : vector<2048x64xi32>
    %select_n3A_58 = arith.select %and3A_54, %sub3A_57, %div3A_30 : vector<2048x64xi1>, vector<2048x64xi32>
    %jit3A_59 = arith.constant 64 : i32
    %eq3A_60 = arith.constant 0 : i32
    %eq3A_61 = arith.cmpi eq, %jit3A_59, %eq3A_60 : i32
    %jit3A_62 = arith.constant 1 : i32
    %select_n3A_63 = arith.select %eq3A_61, %jit3A_62, %jit3A_59 : i32
    %rem3A_64 = vector.broadcast %select_n3A_63 : i32 to vector<2048x64xi32>
    %rem3A_65 = arith.remsi %select_n3A_58, %rem3A_64 : vector<2048x64xi32>
    %ne3A_66 = arith.constant 0 : i32
    %ne3A_67 = vector.broadcast %ne3A_66 : i32 to vector<2048x64xi32>
    %ne3A_68 = arith.cmpi ne, %rem3A_65, %ne3A_67 : vector<2048x64xi32>
    %lt3A = arith.constant 0 : i32
    %lt3A_69 = vector.broadcast %lt3A : i32 to vector<2048x64xi32>
    %lt3A_70 = arith.cmpi slt, %rem3A_65, %lt3A_69 : vector<2048x64xi32>
    %lt3A_71 = arith.constant 0 : i32
    %lt3A_72 = arith.cmpi slt, %select_n3A_63, %lt3A_71 : i32
    %ne3A_73 = vector.broadcast %lt3A_72 : i1 to vector<2048x64xi1>
    %ne3A_74 = vector.broadcast %ne3A_73 : vector<2048x64xi1> to vector<2048x64xi1>
    %ne3A_75 = arith.xori %lt3A_70, %ne3A_74 : vector<2048x64xi1>
    %and3A_76 = arith.andi %ne3A_75, %ne3A_68 : vector<2048x64xi1>
    %add3A = vector.broadcast %select_n3A_63 : i32 to vector<2048x64xi32>
    %add3A_77 = arith.addi %rem3A_65, %add3A : vector<2048x64xi32>
    %select_n3A_78 = arith.select %and3A_76, %add3A_77, %rem3A_65 : vector<2048x64xi1>, vector<2048x64xi32>
    %iota3A_79 = tpu.iota {dimensions = array<i32: 1>} : vector<2048x64xi32>
    %eq3A_80 = arith.cmpi eq, %select_n3A_78, %iota3A_79 : vector<2048x64xi32>
    %convert_element_type3A_81 = arith.extui %eq3A_80 : vector<2048x64xi1> to vector<2048x64xi32>
    %convert_element_type3A_82 = arith.sitofp %convert_element_type3A_81 : vector<2048x64xi32> to vector<2048x64xf32>
    %get3A = arith.constant 0 : index
    %get3A_83 = arith.constant 0 : index
    %get3A_84 = vector.load %arg0[%get3A, %get3A_83] : memref<64x256xf32, #tpu.memory_space<vmem>>, vector<64x256xf32>
    %get3A_85 = arith.constant 0 : index
    %get3A_86 = arith.constant 0 : index
    %get3A_87 = vector.load %arg2[%get3A_85, %get3A_86] : memref<128x256xf32, #tpu.memory_space<vmem>>, vector<128x256xf32>
    %get3A_88 = arith.constant 0 : index
    %get3A_89 = arith.constant 0 : index
    %get3A_90 = vector.load %arg3[%get3A_88, %get3A_89] : memref<1x128xf32, #tpu.memory_space<vmem>>, vector<1x128xf32>
    %dot_general3A = arith.constant dense<0.000000e+00> : vector<64x128xf32>
    %dot_general3A_91 = tpu.matmul %get3A_84, %get3A_87, %dot_general3A {dimension_numbers = #tpu.dot_dimension_numbers<[1], [1], [0], [0], [0, 0, 1, 0], [], []>, transpose_lhs_hint = false} : vector<64x256xf32>, vector<128x256xf32>, vector<64x128xf32> -> vector<64x128xf32>
    %add3A_92 = vector.broadcast %get3A_90 : vector<1x128xf32> to vector<64x128xf32>
    %add3A_93 = arith.addf %dot_general3A_91, %add3A_92 : vector<64x128xf32>
    %get3A_94 = arith.constant 0 : index
    %get3A_95 = arith.constant 0 : index
    %get3A_96 = vector.load %arg1[%get3A_94, %get3A_95] : memref<64x256xf32, #tpu.memory_space<vmem>>, vector<64x256xf32>
    %get3A_97 = arith.constant 0 : index
    %get3A_98 = arith.constant 0 : index
    %get3A_99 = vector.load %arg4[%get3A_97, %get3A_98] : memref<128x256xf32, #tpu.memory_space<vmem>>, vector<128x256xf32>
    %get3A_100 = arith.constant 0 : index
    %get3A_101 = arith.constant 0 : index
    %get3A_102 = vector.load %arg5[%get3A_100, %get3A_101] : memref<1x128xf32, #tpu.memory_space<vmem>>, vector<1x128xf32>
    %dot_general3A_103 = arith.constant dense<0.000000e+00> : vector<64x128xf32>
    %dot_general3A_104 = tpu.matmul %get3A_96, %get3A_99, %dot_general3A_103 {dimension_numbers = #tpu.dot_dimension_numbers<[1], [1], [0], [0], [0, 0, 1, 0], [], []>, transpose_lhs_hint = false} : vector<64x256xf32>, vector<128x256xf32>, vector<64x128xf32> -> vector<64x128xf32>
    %add3A_105 = vector.broadcast %get3A_102 : vector<1x128xf32> to vector<64x128xf32>
    %add3A_106 = arith.addf %dot_general3A_104, %add3A_105 : vector<64x128xf32>
    %get3A_107 = arith.constant 0 : index
    %get3A_108 = arith.constant 0 : index
    %get3A_109 = vector.load %arg6[%get3A_107, %get3A_108] : memref<128x128xf32, #tpu.memory_space<vmem>>, vector<128x128xf32>
    %get3A_110 = arith.constant 0 : index
    %get3A_111 = arith.constant 0 : index
    %get3A_112 = vector.load %arg7[%get3A_110, %get3A_111] : memref<1x128xf32, #tpu.memory_space<vmem>>, vector<1x128xf32>
    %dot_general3A_113 = arith.constant dense<0.000000e+00> : vector<64x128xf32>
    %dot_general3A_114 = tpu.matmul %add3A_106, %get3A_109, %dot_general3A_113 {dimension_numbers = #tpu.dot_dimension_numbers<[1], [1], [0], [0], [0, 0, 1, 0], [], []>, transpose_lhs_hint = false} : vector<64x128xf32>, vector<128x128xf32>, vector<64x128xf32> -> vector<64x128xf32>
    %add3A_115 = vector.broadcast %get3A_112 : vector<1x128xf32> to vector<64x128xf32>
    %add3A_116 = arith.addf %dot_general3A_114, %add3A_115 : vector<64x128xf32>
    %get3A_117 = arith.constant 0 : index
    %get3A_118 = arith.constant 0 : index
    %get3A_119 = vector.load %arg8[%get3A_117, %get3A_118] : memref<128x128xf32, #tpu.memory_space<vmem>>, vector<128x128xf32>
    %get3A_120 = arith.constant 0 : index
    %get3A_121 = arith.constant 0 : index
    %get3A_122 = vector.load %arg9[%get3A_120, %get3A_121] : memref<1x128xf32, #tpu.memory_space<vmem>>, vector<1x128xf32>
    %dot_general3A_123 = arith.constant dense<0.000000e+00> : vector<64x128xf32>
    %dot_general3A_124 = tpu.matmul %add3A_106, %get3A_119, %dot_general3A_123 {dimension_numbers = #tpu.dot_dimension_numbers<[1], [1], [0], [0], [0, 0, 1, 0], [], []>, transpose_lhs_hint = false} : vector<64x128xf32>, vector<128x128xf32>, vector<64x128xf32> -> vector<64x128xf32>
    %add3A_125 = vector.broadcast %get3A_122 : vector<1x128xf32> to vector<64x128xf32>
    %add3A_126 = arith.addf %dot_general3A_124, %add3A_125 : vector<64x128xf32>
    %get3A_127 = arith.constant 0 : index
    %get3A_128 = arith.constant 0 : index
    %get3A_129 = vector.load %arg10[%get3A_127, %get3A_128] : memref<128x128xf32, #tpu.memory_space<vmem>>, vector<128x128xf32>
    %get3A_130 = arith.constant 0 : index
    %get3A_131 = arith.constant 0 : index
    %get3A_132 = vector.load %arg11[%get3A_130, %get3A_131] : memref<1x128xf32, #tpu.memory_space<vmem>>, vector<1x128xf32>
    %dot_general3A_133 = arith.constant dense<0.000000e+00> : vector<64x128xf32>
    %dot_general3A_134 = tpu.matmul %add3A_106, %get3A_129, %dot_general3A_133 {dimension_numbers = #tpu.dot_dimension_numbers<[1], [1], [0], [0], [0, 0, 1, 0], [], []>, transpose_lhs_hint = false} : vector<64x128xf32>, vector<128x128xf32>, vector<64x128xf32> -> vector<64x128xf32>
    %add3A_135 = vector.broadcast %get3A_132 : vector<1x128xf32> to vector<64x128xf32>
    %add3A_136 = arith.addf %dot_general3A_134, %add3A_135 : vector<64x128xf32>
    %get3A_137 = arith.constant 0 : index
    %get3A_138 = arith.constant 0 : index
    %get3A_139 = vector.load %arg12[%get3A_137, %get3A_138] : memref<128x128xf32, #tpu.memory_space<vmem>>, vector<128x128xf32>
    %get3A_140 = arith.constant 0 : index
    %get3A_141 = arith.constant 0 : index
    %get3A_142 = vector.load %arg13[%get3A_140, %get3A_141] : memref<1x128xf32, #tpu.memory_space<vmem>>, vector<1x128xf32>
    %dot_general3A_143 = arith.constant dense<0.000000e+00> : vector<64x128xf32>
    %dot_general3A_144 = tpu.matmul %add3A_93, %get3A_139, %dot_general3A_143 {dimension_numbers = #tpu.dot_dimension_numbers<[1], [1], [0], [0], [0, 0, 1, 0], [], []>, transpose_lhs_hint = false} : vector<64x128xf32>, vector<128x128xf32>, vector<64x128xf32> -> vector<64x128xf32>
    %add3A_145 = vector.broadcast %get3A_142 : vector<1x128xf32> to vector<64x128xf32>
    %add3A_146 = arith.addf %dot_general3A_144, %add3A_145 : vector<64x128xf32>
    %broadcast_in_dim3A = vector.shape_cast %add3A_116 : vector<64x128xf32> to vector<1x64x128xf32>
    %broadcast_in_dim3A_147 = vector.shape_cast %add3A_126 : vector<64x128xf32> to vector<64x1x128xf32>
    %sub3A_148 = vector.broadcast %broadcast_in_dim3A : vector<1x64x128xf32> to vector<64x64x128xf32>
    %sub3A_149 = vector.broadcast %broadcast_in_dim3A_147 : vector<64x1x128xf32> to vector<64x64x128xf32>
    %sub3A_150 = arith.subf %sub3A_148, %sub3A_149 : vector<64x64x128xf32>
    %max3A = arith.constant 0.000000e+00 : f32
    %max3A_151 = vector.broadcast %max3A : f32 to vector<64x64x128xf32>
    %max3A_152 = arith.maximumf %sub3A_150, %max3A_151 : vector<64x64x128xf32>
    %reshape3A = vector.shape_cast %max3A_152 : vector<64x64x128xf32> to vector<4096x128xf32>
    %get3A_153 = arith.constant 0 : index
    %get3A_154 = arith.constant 0 : index
    %get3A_155 = vector.load %arg14[%get3A_153, %get3A_154] : memref<128x128xf32, #tpu.memory_space<vmem>>, vector<128x128xf32>
    %get3A_156 = arith.constant 0 : index
    %get3A_157 = arith.constant 0 : index
    %get3A_158 = vector.load %arg15[%get3A_156, %get3A_157] : memref<1x128xf32, #tpu.memory_space<vmem>>, vector<1x128xf32>
    %dot_general3A_159 = arith.constant dense<0.000000e+00> : vector<4096x128xf32>
    %dot_general3A_160 = tpu.matmul %reshape3A, %get3A_155, %dot_general3A_159 {dimension_numbers = #tpu.dot_dimension_numbers<[1], [1], [0], [0], [0, 0, 1, 0], [], []>, transpose_lhs_hint = false} : vector<4096x128xf32>, vector<128x128xf32>, vector<4096x128xf32> -> vector<4096x128xf32>
    %add3A_161 = vector.broadcast %get3A_158 : vector<1x128xf32> to vector<4096x128xf32>
    %add3A_162 = arith.addf %dot_general3A_160, %add3A_161 : vector<4096x128xf32>
    %get3A_163 = arith.constant 0 : index
    %get3A_164 = arith.constant 0 : index
    %get3A_165 = vector.load %arg18[%get3A_163, %get3A_164] : memref<128x128xf32, #tpu.memory_space<vmem>>, vector<128x128xf32>
    %get3A_166 = arith.constant 0 : index
    %get3A_167 = arith.constant 0 : index
    %get3A_168 = vector.load %arg19[%get3A_166, %get3A_167] : memref<1x128xf32, #tpu.memory_space<vmem>>, vector<1x128xf32>
    %dot_general3A_169 = arith.constant dense<0.000000e+00> : vector<4096x128xf32>
    %dot_general3A_170 = tpu.matmul %add3A_162, %get3A_165, %dot_general3A_169 {dimension_numbers = #tpu.dot_dimension_numbers<[1], [1], [0], [0], [0, 0, 1, 0], [], []>, transpose_lhs_hint = false} : vector<4096x128xf32>, vector<128x128xf32>, vector<4096x128xf32> -> vector<4096x128xf32>
    %add3A_171 = vector.broadcast %get3A_168 : vector<1x128xf32> to vector<4096x128xf32>
    %add3A_172 = arith.addf %dot_general3A_170, %add3A_171 : vector<4096x128xf32>
    %mul3A = arith.mulf %add3A_172, %add3A_172 : vector<4096x128xf32>
    %reduce_sum3A = arith.constant dense<0.000000e+00> : vector<4096xf32>
    %reduce_sum3A_173 = vector.multi_reduction <add>, %mul3A, %reduce_sum3A [1] : vector<4096x128xf32> to vector<4096xf32>
    %broadcast_in_dim3A_174 = vector.shape_cast %reduce_sum3A_173 : vector<4096xf32> to vector<4096x1xf32>
    %sqrt3A = math.sqrt %broadcast_in_dim3A_174 : vector<4096x1xf32>
    %div3A_175 = vector.broadcast %sqrt3A : vector<4096x1xf32> to vector<4096x128xf32>
    %div3A_176 = arith.divf %add3A_172, %div3A_175 : vector<4096x128xf32>
    %swap3A_177 = arith.constant 0 : index
    %swap3A_178 = arith.constant 0 : index
    %swap3A_179 = vector.load %arg22[%swap3A_177, %swap3A_178] : memref<4096x128xf32, #tpu.memory_space<vmem>>, vector<4096x128xf32>
    tpu.vector_store %arg22[%swap3A_177, %swap3A_178], %div3A_176 {strides = array<i32>} : memref<4096x128xf32, #tpu.memory_space<vmem>>, vector<4096x128xf32>,
    %dot_general3A_180 = arith.constant dense<0.000000e+00> : vector<2048x128xf32>
    %dot_general3A_181 = tpu.matmul %convert_element_type3A_82, %add3A_136, %dot_general3A_180 {dimension_numbers = #tpu.dot_dimension_numbers<[1], [0], [0], [1], [0, 0, 1, 1], [], []>, transpose_lhs_hint = false} : vector<2048x64xf32>, vector<64x128xf32>, vector<2048x128xf32> -> vector<2048x128xf32>
    %swap3A_182 = arith.constant 0 : index
    %swap3A_183 = arith.constant 0 : index
    %swap3A_184 = vector.load %arg23[%swap3A_182, %swap3A_183] : memref<2048x128xf32, #tpu.memory_space<vmem>>, vector<2048x128xf32>
    tpu.vector_store %arg23[%swap3A_182, %swap3A_183], %dot_general3A_181 {strides = array<i32>} : memref<2048x128xf32, #tpu.memory_space<vmem>>, vector<2048x128xf32>,
    %broadcast_in_dim3A_185 = vector.shape_cast %add3A_136 : vector<64x128xf32> to vector<1x64x128xf32>
    %broadcast_in_dim3A_186 = vector.shape_cast %add3A_146 : vector<64x128xf32> to vector<64x1x128xf32>
    %sub3A_187 = vector.broadcast %broadcast_in_dim3A_185 : vector<1x64x128xf32> to vector<64x64x128xf32>
    %sub3A_188 = vector.broadcast %broadcast_in_dim3A_186 : vector<64x1x128xf32> to vector<64x64x128xf32>
    %sub3A_189 = arith.subf %sub3A_187, %sub3A_188 : vector<64x64x128xf32>
    %max3A_190 = arith.constant 0.000000e+00 : f32
    %max3A_191 = vector.broadcast %max3A_190 : f32 to vector<64x64x128xf32>
    %max3A_192 = arith.maximumf %sub3A_189, %max3A_191 : vector<64x64x128xf32>
    %reshape3A_193 = vector.shape_cast %max3A_192 : vector<64x64x128xf32> to vector<4096x128xf32>
    %get3A_194 = arith.constant 0 : index
    %get3A_195 = arith.constant 0 : index
    %get3A_196 = vector.load %arg16[%get3A_194, %get3A_195] : memref<128x128xf32, #tpu.memory_space<vmem>>, vector<128x128xf32>
    %get3A_197 = arith.constant 0 : index
    %get3A_198 = arith.constant 0 : index
    %get3A_199 = vector.load %arg17[%get3A_197, %get3A_198] : memref<1x128xf32, #tpu.memory_space<vmem>>, vector<1x128xf32>
    %dot_general3A_200 = arith.constant dense<0.000000e+00> : vector<4096x128xf32>
    %dot_general3A_201 = tpu.matmul %reshape3A_193, %get3A_196, %dot_general3A_200 {dimension_numbers = #tpu.dot_dimension_numbers<[1], [1], [0], [0], [0, 0, 1, 0], [], []>, transpose_lhs_hint = false} : vector<4096x128xf32>, vector<128x128xf32>, vector<4096x128xf32> -> vector<4096x128xf32>
    %add3A_202 = vector.broadcast %get3A_199 : vector<1x128xf32> to vector<4096x128xf32>
    %add3A_203 = arith.addf %dot_general3A_201, %add3A_202 : vector<4096x128xf32>
    %get3A_204 = arith.constant 0 : index
    %get3A_205 = arith.constant 0 : index
    %get3A_206 = vector.load %arg20[%get3A_204, %get3A_205] : memref<128x128xf32, #tpu.memory_space<vmem>>, vector<128x128xf32>
    %get3A_207 = arith.constant 0 : index
    %get3A_208 = arith.constant 0 : index
    %get3A_209 = vector.load %arg21[%get3A_207, %get3A_208] : memref<1x128xf32, #tpu.memory_space<vmem>>, vector<1x128xf32>
    %dot_general3A_210 = arith.constant dense<0.000000e+00> : vector<4096x128xf32>
    %dot_general3A_211 = tpu.matmul %add3A_203, %get3A_206, %dot_general3A_210 {dimension_numbers = #tpu.dot_dimension_numbers<[1], [1], [0], [0], [0, 0, 1, 0], [], []>, transpose_lhs_hint = false} : vector<4096x128xf32>, vector<128x128xf32>, vector<4096x128xf32> -> vector<4096x128xf32>
    %add3A_212 = vector.broadcast %get3A_209 : vector<1x128xf32> to vector<4096x128xf32>
    %add3A_213 = arith.addf %dot_general3A_211, %add3A_212 : vector<4096x128xf32>
    %mul3A_214 = arith.mulf %add3A_213, %add3A_213 : vector<4096x128xf32>
    %reduce_sum3A_215 = arith.constant dense<0.000000e+00> : vector<4096xf32>
    %reduce_sum3A_216 = vector.multi_reduction <add>, %mul3A_214, %reduce_sum3A_215 [1] : vector<4096x128xf32> to vector<4096xf32>
    %broadcast_in_dim3A_217 = vector.shape_cast %reduce_sum3A_216 : vector<4096xf32> to vector<4096x1xf32>
    %sqrt3A_218 = math.sqrt %broadcast_in_dim3A_217 : vector<4096x1xf32>
    %div3A_219 = vector.broadcast %sqrt3A_218 : vector<4096x1xf32> to vector<4096x128xf32>
    %div3A_220 = arith.divf %add3A_213, %div3A_219 : vector<4096x128xf32>
    %mul3A_221 = arith.mulf %div3A_176, %div3A_220 : vector<4096x128xf32>
    %reduce_sum3A_222 = arith.constant dense<0.000000e+00> : vector<4096xf32>
    %reduce_sum3A_223 = vector.multi_reduction <add>, %mul3A_221, %reduce_sum3A_222 [1] : vector<4096x128xf32> to vector<4096xf32>
    %broadcast_in_dim3A_224 = vector.shape_cast %reduce_sum3A_223 : vector<4096xf32> to vector<4096x1xf32>
    %sub3A_225 = arith.constant 1.000000e+00 : f32
    %sub3A_226 = vector.broadcast %sub3A_225 : f32 to vector<4096x1xf32>
    %sub3A_227 = arith.subf %broadcast_in_dim3A_224, %sub3A_226 : vector<4096x1xf32>
    %div3A_228 = arith.constant 7.000000e-02 : f32
    %div3A_229 = vector.broadcast %div3A_228 : f32 to vector<4096x1xf32>
    %div3A_230 = arith.divf %sub3A_227, %div3A_229 : vector<4096x1xf32>
    %exp3A = math.exp %div3A_230 : vector<4096x1xf32>
    %swap3A_231 = arith.constant 0 : index
    %swap3A_232 = arith.constant 0 : index
    %swap3A_233 = vector.load %arg24[%swap3A_231, %swap3A_232] : memref<4096x1xf32, #tpu.memory_space<vmem>>, vector<4096x1xf32>
    tpu.vector_store %arg24[%swap3A_231, %swap3A_232], %exp3A {strides = array<i32>} : memref<4096x1xf32, #tpu.memory_space<vmem>>, vector<4096x1xf32>,
    return
  }
}

module attributes {stable_mosaic.version = 14 : i64} {
  func.func @_stage2_body(%arg0: i32, %arg1: memref<32768x128xf32, #tpu.memory_space<any>>, %arg2: memref<128x128xf32, #tpu.memory_space<vmem>>, %arg3: memref<128x1xf32, #tpu.memory_space<vmem>>, %arg4: memref<2048x128xf32, #tpu.memory_space<vmem>>, %arg5: memref<2048x128xf32, #tpu.memory_space<vmem>>, %arg6: memref<128x128xf32, #tpu.memory_space<vmem>>, %arg7: memref<1x128xf32, #tpu.memory_space<vmem>>, %arg8: memref<128x128xf32, #tpu.memory_space<vmem>>, %arg9: memref<1x128xf32, #tpu.memory_space<vmem>>, %arg10: memref<128x128xf32, #tpu.memory_space<vmem>>, %arg11: memref<1x128xf32, #tpu.memory_space<vmem>>, %arg12: memref<128x128xf32, #tpu.memory_space<vmem>>, %arg13: memref<2x2048x128xf32, #tpu.memory_space<vmem>>, %arg14: memref<2x!tpu.dma_semaphore, #tpu.memory_space<semaphore_mem>>) attributes {dimension_semantics = [#tpu.dimension_semantics<arbitrary>], iteration_bounds = array<i64: 16>, scalar_prefetch = 0 : i64, scratch_operands = 2 : i64, tpu.core_type = #tpu.core_type<tc>, window_params = [{}, {transform_indices = @transform_1, window_bounds = array<i64: 128, 128>}, {transform_indices = @transform_2, window_bounds = array<i64: 128, 1>}, {pipeline_mode = #tpu.pipeline_mode<synchronous>, transform_indices = @transform_3, window_bounds = array<i64: 2048, 128>}, {pipeline_mode = #tpu.pipeline_mode<synchronous>, transform_indices = @transform_4, window_bounds = array<i64: 2048, 128>}, {pipeline_mode = #tpu.pipeline_mode<synchronous>, transform_indices = @transform_5, window_bounds = array<i64: 128, 128>}, {pipeline_mode = #tpu.pipeline_mode<synchronous>, transform_indices = @transform_6, window_bounds = array<i64: 1, 128>}, {pipeline_mode = #tpu.pipeline_mode<synchronous>, transform_indices = @transform_7, window_bounds = array<i64: 128, 128>}, {pipeline_mode = #tpu.pipeline_mode<synchronous>, transform_indices = @transform_8, window_bounds = array<i64: 1, 128>}, {pipeline_mode = #tpu.pipeline_mode<synchronous>, transform_indices = @transform_9, window_bounds = array<i64: 128, 128>}, {pipeline_mode = #tpu.pipeline_mode<synchronous>, transform_indices = @transform_10, window_bounds = array<i64: 1, 128>}, {transform_indices = @transform_11, window_bounds = array<i64: 128, 128>}]} {
    %rem3A = arith.constant 2 : i32
    %rem3A_0 = arith.remsi %arg0, %rem3A : i32
    %add3A = arith.constant 1 : i32
    %add3A_1 = arith.addi %arg0, %add3A : i32
    %rem3A_2 = arith.constant 2 : i32
    %rem3A_3 = arith.remsi %add3A_1, %rem3A_2 : i32
    %eq3A = arith.constant 0 : i32
    %eq3A_4 = arith.cmpi eq, %arg0, %eq3A : i32
    %convert_element_type3A = arith.extui %eq3A_4 : i1 to i32
    %cond3A = arith.constant 0 : i32
    %cond3A_5 = arith.cmpi ne, %convert_element_type3A, %cond3A : i32
    scf.if %cond3A_5 {
      %dma_start3A = arith.constant 0 : i32
      %dma_start3A_86 = arith.constant 0 : i32
      %dma_start3A_87 = tpu.memref_slice %arg14[%dma_start3A_86] : memref<2x!tpu.dma_semaphore, #tpu.memory_space<semaphore_mem>> -> memref<1x!tpu.dma_semaphore, #tpu.memory_space<semaphore_mem>>
      %dma_start3A_88 = tpu.memref_squeeze %dma_start3A_87 : memref<1x!tpu.dma_semaphore, #tpu.memory_space<semaphore_mem>> -> memref<!tpu.dma_semaphore, #tpu.memory_space<semaphore_mem>>
      %dma_start3A_89 = arith.constant 0 : i32
      %dma_start3A_90 = arith.constant 0 : i32
      %dma_start3A_91 = tpu.memref_slice %arg13[%dma_start3A, %dma_start3A_89, %dma_start3A_90] : memref<2x2048x128xf32, #tpu.memory_space<vmem>> -> memref<1x2048x128xf32, #tpu.memory_space<vmem>>
      %dma_start3A_92 = tpu.memref_squeeze %dma_start3A_91 : memref<1x2048x128xf32, #tpu.memory_space<vmem>> -> memref<2048x128xf32, #tpu.memory_space<vmem>>
      %dma_start3A_93 = arith.constant 0 : i32
      %dma_start3A_94 = arith.constant 0 : i32
      %dma_start3A_95 = tpu.memref_slice %arg1[%dma_start3A_93, %dma_start3A_94] : memref<32768x128xf32, #tpu.memory_space<any>> -> memref<2048x128xf32, #tpu.memory_space<any>>
      tpu.enqueue_dma source(%dma_start3A_95 : memref<2048x128xf32, #tpu.memory_space<any>>) target(%dma_start3A_92 : memref<2048x128xf32, #tpu.memory_space<vmem>>) target_semaphore(%dma_start3A_88 : memref<!tpu.dma_semaphore, #tpu.memory_space<semaphore_mem>>)
    } else {
    }
    %add3A_6 = arith.constant 1 : i32
    %add3A_7 = arith.addi %arg0, %add3A_6 : i32
    %lt3A = arith.constant 16 : i32
    %lt3A_8 = arith.cmpi slt, %add3A_7, %lt3A : i32
    %convert_element_type3A_9 = arith.extui %lt3A_8 : i1 to i32
    %cond3A_10 = arith.constant 0 : i32
    %cond3A_11 = arith.cmpi ne, %convert_element_type3A_9, %cond3A_10 : i32
    scf.if %cond3A_11 {
      %add3A_86 = arith.constant 1 : i32
      %add3A_87 = arith.addi %arg0, %add3A_86 : i32
      %mul3A_88 = arith.constant 2048 : i32
      %mul3A_89 = arith.muli %add3A_87, %mul3A_88 : i32
      %dma_start3A = tpu.memref_slice %arg14[%rem3A_3] : memref<2x!tpu.dma_semaphore, #tpu.memory_space<semaphore_mem>> -> memref<1x!tpu.dma_semaphore, #tpu.memory_space<semaphore_mem>>
      %dma_start3A_90 = tpu.memref_squeeze %dma_start3A : memref<1x!tpu.dma_semaphore, #tpu.memory_space<semaphore_mem>> -> memref<!tpu.dma_semaphore, #tpu.memory_space<semaphore_mem>>
      %dma_start3A_91 = arith.constant 0 : i32
      %dma_start3A_92 = arith.constant 0 : i32
      %dma_start3A_93 = tpu.memref_slice %arg13[%rem3A_3, %dma_start3A_91, %dma_start3A_92] : memref<2x2048x128xf32, #tpu.memory_space<vmem>> -> memref<1x2048x128xf32, #tpu.memory_space<vmem>>
      %dma_start3A_94 = tpu.memref_squeeze %dma_start3A_93 : memref<1x2048x128xf32, #tpu.memory_space<vmem>> -> memref<2048x128xf32, #tpu.memory_space<vmem>>
      %dma_start3A_95 = arith.constant 0 : i32
      %dma_start3A_96 = tpu.memref_slice %arg1[%mul3A_89, %dma_start3A_95] : memref<32768x128xf32, #tpu.memory_space<any>> -> memref<2048x128xf32, #tpu.memory_space<any>>
      tpu.enqueue_dma source(%dma_start3A_96 : memref<2048x128xf32, #tpu.memory_space<any>>) target(%dma_start3A_94 : memref<2048x128xf32, #tpu.memory_space<vmem>>) target_semaphore(%dma_start3A_90 : memref<!tpu.dma_semaphore, #tpu.memory_space<semaphore_mem>>)
    } else {
    }
    %mul3A = arith.constant 2048 : i32
    %mul3A_12 = arith.muli %arg0, %mul3A : i32
    %dma_wait3A = tpu.memref_slice %arg14[%rem3A_0] : memref<2x!tpu.dma_semaphore, #tpu.memory_space<semaphore_mem>> -> memref<1x!tpu.dma_semaphore, #tpu.memory_space<semaphore_mem>>
    %dma_wait3A_13 = tpu.memref_squeeze %dma_wait3A : memref<1x!tpu.dma_semaphore, #tpu.memory_space<semaphore_mem>> -> memref<!tpu.dma_semaphore, #tpu.memory_space<semaphore_mem>>
    %dma_wait3A_14 = arith.constant 0 : i32
    %dma_wait3A_15 = arith.constant 0 : i32
    %dma_wait3A_16 = tpu.memref_slice %arg13[%rem3A_0, %dma_wait3A_14, %dma_wait3A_15] : memref<2x2048x128xf32, #tpu.memory_space<vmem>> -> memref<1x2048x128xf32, #tpu.memory_space<vmem>>
    %dma_wait3A_17 = tpu.memref_squeeze %dma_wait3A_16 : memref<1x2048x128xf32, #tpu.memory_space<vmem>> -> memref<2048x128xf32, #tpu.memory_space<vmem>>
    %dma_wait3A_18 = arith.constant 0 : i32
    %dma_wait3A_19 = tpu.memref_slice %arg1[%mul3A_12, %dma_wait3A_18] : memref<32768x128xf32, #tpu.memory_space<any>> -> memref<2048x128xf32, #tpu.memory_space<any>>
    tpu.wait_dma2 semaphore(%dma_wait3A_13 : memref<!tpu.dma_semaphore, #tpu.memory_space<semaphore_mem>>) src(%dma_wait3A_19 : memref<2048x128xf32, #tpu.memory_space<any>>) dst(%dma_wait3A_17 : memref<2048x128xf32, #tpu.memory_space<vmem>>)
    %get3A = arith.index_cast %rem3A_0 : i32 to index
    %get3A_20 = arith.constant 0 : index
    %get3A_21 = arith.constant 0 : index
    %get3A_22 = vector.load %arg13[%get3A, %get3A_20, %get3A_21] : memref<2x2048x128xf32, #tpu.memory_space<vmem>>, vector<1x2048x128xf32>
    %get3A_23 = vector.shape_cast %get3A_22 : vector<1x2048x128xf32> to vector<2048x128xf32>
    %get3A_24 = arith.constant 0 : index
    %get3A_25 = arith.constant 0 : index
    %get3A_26 = vector.load %arg6[%get3A_24, %get3A_25] : memref<128x128xf32, #tpu.memory_space<vmem>>, vector<128x128xf32>
    %get3A_27 = arith.constant 0 : index
    %get3A_28 = arith.constant 0 : index
    %get3A_29 = vector.load %arg7[%get3A_27, %get3A_28] : memref<1x128xf32, #tpu.memory_space<vmem>>, vector<1x128xf32>
    %dot_general3A = arith.constant dense<0.000000e+00> : vector<2048x128xf32>
    %dot_general3A_30 = tpu.matmul %get3A_23, %get3A_26, %dot_general3A {dimension_numbers = #tpu.dot_dimension_numbers<[1], [1], [0], [0], [0, 0, 1, 0], [], []>, transpose_lhs_hint = false} : vector<2048x128xf32>, vector<128x128xf32>, vector<2048x128xf32> -> vector<2048x128xf32>
    %add3A_31 = vector.broadcast %get3A_29 : vector<1x128xf32> to vector<2048x128xf32>
    %add3A_32 = arith.addf %dot_general3A_30, %add3A_31 : vector<2048x128xf32>
    %get3A_33 = arith.constant 0 : index
    %get3A_34 = arith.constant 0 : index
    %get3A_35 = vector.load %arg4[%get3A_33, %get3A_34] : memref<2048x128xf32, #tpu.memory_space<vmem>>, vector<2048x128xf32>
    %sub3A = arith.subf %get3A_35, %add3A_32 : vector<2048x128xf32>
    %max3A = arith.constant 0.000000e+00 : f32
    %max3A_36 = vector.broadcast %max3A : f32 to vector<2048x128xf32>
    %max3A_37 = arith.maximumf %sub3A, %max3A_36 : vector<2048x128xf32>
    %get3A_38 = arith.constant 0 : index
    %get3A_39 = arith.constant 0 : index
    %get3A_40 = vector.load %arg8[%get3A_38, %get3A_39] : memref<128x128xf32, #tpu.memory_space<vmem>>, vector<128x128xf32>
    %get3A_41 = arith.constant 0 : index
    %get3A_42 = arith.constant 0 : index
    %get3A_43 = vector.load %arg9[%get3A_41, %get3A_42] : memref<1x128xf32, #tpu.memory_space<vmem>>, vector<1x128xf32>
    %dot_general3A_44 = arith.constant dense<0.000000e+00> : vector<2048x128xf32>
    %dot_general3A_45 = tpu.matmul %max3A_37, %get3A_40, %dot_general3A_44 {dimension_numbers = #tpu.dot_dimension_numbers<[1], [1], [0], [0], [0, 0, 1, 0], [], []>, transpose_lhs_hint = false} : vector<2048x128xf32>, vector<128x128xf32>, vector<2048x128xf32> -> vector<2048x128xf32>
    %add3A_46 = vector.broadcast %get3A_43 : vector<1x128xf32> to vector<2048x128xf32>
    %add3A_47 = arith.addf %dot_general3A_45, %add3A_46 : vector<2048x128xf32>
    %get3A_48 = arith.constant 0 : index
    %get3A_49 = arith.constant 0 : index
    %get3A_50 = vector.load %arg10[%get3A_48, %get3A_49] : memref<128x128xf32, #tpu.memory_space<vmem>>, vector<128x128xf32>
    %get3A_51 = arith.constant 0 : index
    %get3A_52 = arith.constant 0 : index
    %get3A_53 = vector.load %arg11[%get3A_51, %get3A_52] : memref<1x128xf32, #tpu.memory_space<vmem>>, vector<1x128xf32>
    %dot_general3A_54 = arith.constant dense<0.000000e+00> : vector<2048x128xf32>
    %dot_general3A_55 = tpu.matmul %add3A_47, %get3A_50, %dot_general3A_54 {dimension_numbers = #tpu.dot_dimension_numbers<[1], [1], [0], [0], [0, 0, 1, 0], [], []>, transpose_lhs_hint = false} : vector<2048x128xf32>, vector<128x128xf32>, vector<2048x128xf32> -> vector<2048x128xf32>
    %add3A_56 = vector.broadcast %get3A_53 : vector<1x128xf32> to vector<2048x128xf32>
    %add3A_57 = arith.addf %dot_general3A_55, %add3A_56 : vector<2048x128xf32>
    %mul3A_58 = arith.mulf %add3A_57, %add3A_57 : vector<2048x128xf32>
    %reduce_sum3A = arith.constant dense<0.000000e+00> : vector<2048xf32>
    %reduce_sum3A_59 = vector.multi_reduction <add>, %mul3A_58, %reduce_sum3A [1] : vector<2048x128xf32> to vector<2048xf32>
    %broadcast_in_dim3A = vector.shape_cast %reduce_sum3A_59 : vector<2048xf32> to vector<2048x1xf32>
    %rsqrt3A = math.rsqrt %broadcast_in_dim3A : vector<2048x1xf32>
    %mul3A_60 = vector.broadcast %rsqrt3A : vector<2048x1xf32> to vector<2048x128xf32>
    %mul3A_61 = arith.mulf %add3A_57, %mul3A_60 : vector<2048x128xf32>
    %get3A_62 = arith.constant 0 : index
    %get3A_63 = arith.constant 0 : index
    %get3A_64 = vector.load %arg5[%get3A_62, %get3A_63] : memref<2048x128xf32, #tpu.memory_space<vmem>>, vector<2048x128xf32>
    %get3A_65 = arith.constant 0 : index
    %get3A_66 = arith.constant 0 : index
    %get3A_67 = vector.load %arg2[%get3A_65, %get3A_66] : memref<128x128xf32, #tpu.memory_space<vmem>>, vector<128x128xf32>
    %dot_general3A_68 = arith.constant dense<0.000000e+00> : vector<2048x128xf32>
    %dot_general3A_69 = tpu.matmul %get3A_64, %get3A_67, %dot_general3A_68 {dimension_numbers = #tpu.dot_dimension_numbers<[1], [0], [0], [1], [0, 0, 1, 1], [], []>, transpose_lhs_hint = false} : vector<2048x128xf32>, vector<128x128xf32>, vector<2048x128xf32> -> vector<2048x128xf32>
    %mul3A_70 = arith.mulf %mul3A_61, %dot_general3A_69 : vector<2048x128xf32>
    %reshape3A = vector.shape_cast %mul3A_70 : vector<2048x128xf32> to vector<128x16x128xf32>
    %reduce_sum3A_71 = arith.constant dense<0.000000e+00> : vector<128x16xf32>
    %reduce_sum3A_72 = vector.multi_reduction <add>, %reshape3A, %reduce_sum3A_71 [2] : vector<128x16x128xf32> to vector<128x16xf32>
    %get3A_73 = arith.constant 0 : index
    %get3A_74 = arith.constant 0 : index
    %get3A_75 = vector.load %arg3[%get3A_73, %get3A_74] : memref<128x1xf32, #tpu.memory_space<vmem>>, vector<128x1xf32>
    %swap3A = arith.constant 0 : index
    %swap3A_76 = arith.constant 0 : index
    %swap3A_77 = vector.load %arg12[%swap3A, %swap3A_76] : memref<128x128xf32, #tpu.memory_space<vmem>>, vector<128x1xf32>
    tpu.vector_store %arg12[%swap3A, %swap3A_76], %get3A_75 {strides = array<i32>} : memref<128x128xf32, #tpu.memory_space<vmem>>, vector<128x1xf32>,
    %sub3A_78 = arith.constant 1.000000e+00 : f32
    %sub3A_79 = vector.broadcast %sub3A_78 : f32 to vector<128x16xf32>
    %sub3A_80 = arith.subf %reduce_sum3A_72, %sub3A_79 : vector<128x16xf32>
    %div3A = arith.constant 7.000000e-02 : f32
    %div3A_81 = vector.broadcast %div3A : f32 to vector<128x16xf32>
    %div3A_82 = arith.divf %sub3A_80, %div3A_81 : vector<128x16xf32>
    %exp3A = math.exp %div3A_82 : vector<128x16xf32>
    %swap3A_83 = arith.constant 0 : index
    %swap3A_84 = arith.constant 1 : index
    %swap3A_85 = vector.load %arg12[%swap3A_83, %swap3A_84] : memref<128x128xf32, #tpu.memory_space<vmem>>, vector<128x16xf32>
    tpu.vector_store %arg12[%swap3A_83, %swap3A_84], %exp3A {strides = array<i32>} : memref<128x128xf32, #tpu.memory_space<vmem>>, vector<128x16xf32>,
    return
  }
  func.func @transform_1(%arg0: i32) -> (i32, i32) {
    %add3A = arith.constant 0 : i32
    %add3A_0 = arith.addi %arg0, %add3A : i32
    %c0_i32 = arith.constant 0 : i32
    %c0_i32_1 = arith.constant 0 : i32
    return %add3A_0, %c0_i32 : i32, i32
  }
  func.func @transform_2(%arg0: i32) -> (i32, i32) {
    %add3A = arith.constant 0 : i32
    %add3A_0 = arith.addi %arg0, %add3A : i32
    %c0_i32 = arith.constant 0 : i32
    %c0_i32_1 = arith.constant 0 : i32
    return %add3A_0, %c0_i32 : i32, i32
  }
  func.func @transform_3(%arg0: i32) -> (i32, i32) {
    %c0_i32 = arith.constant 0 : i32
    %c0_i32_0 = arith.constant 0 : i32
    %c0_i32_1 = arith.constant 0 : i32
    return %c0_i32, %c0_i32_0 : i32, i32
  }
  func.func @transform_4(%arg0: i32) -> (i32, i32) {
    %c0_i32 = arith.constant 0 : i32
    %c0_i32_0 = arith.constant 0 : i32
    %c0_i32_1 = arith.constant 0 : i32
    return %c0_i32, %c0_i32_0 : i32, i32
  }
  func.func @transform_5(%arg0: i32) -> (i32, i32) {
    %c0_i32 = arith.constant 0 : i32
    %c0_i32_0 = arith.constant 0 : i32
    %c0_i32_1 = arith.constant 0 : i32
    return %c0_i32, %c0_i32_0 : i32, i32
  }
  func.func @transform_6(%arg0: i32) -> (i32, i32) {
    %c0_i32 = arith.constant 0 : i32
    %c0_i32_0 = arith.constant 0 : i32
    %c0_i32_1 = arith.constant 0 : i32
    return %c0_i32, %c0_i32_0 : i32, i32
  }
  func.func @transform_7(%arg0: i32) -> (i32, i32) {
    %c0_i32 = arith.constant 0 : i32
    %c0_i32_0 = arith.constant 0 : i32
    %c0_i32_1 = arith.constant 0 : i32
    return %c0_i32, %c0_i32_0 : i32, i32
  }
  func.func @transform_8(%arg0: i32) -> (i32, i32) {
    %c0_i32 = arith.constant 0 : i32
    %c0_i32_0 = arith.constant 0 : i32
    %c0_i32_1 = arith.constant 0 : i32
    return %c0_i32, %c0_i32_0 : i32, i32
  }
  func.func @transform_9(%arg0: i32) -> (i32, i32) {
    %c0_i32 = arith.constant 0 : i32
    %c0_i32_0 = arith.constant 0 : i32
    %c0_i32_1 = arith.constant 0 : i32
    return %c0_i32, %c0_i32_0 : i32, i32
  }
  func.func @transform_10(%arg0: i32) -> (i32, i32) {
    %c0_i32 = arith.constant 0 : i32
    %c0_i32_0 = arith.constant 0 : i32
    %c0_i32_1 = arith.constant 0 : i32
    return %c0_i32, %c0_i32_0 : i32, i32
  }
  func.func @transform_11(%arg0: i32) -> (i32, i32) {
    %c0_i32 = arith.constant 0 : i32
    %c0_i32_0 = arith.constant 0 : i32
    return %arg0, %c0_i32 : i32, i32
  }
}

</mosaic_0001>

<sc_bundles>
// kernel: kernel.10.cloned.1.call-start
scs
__scs_entry_jumppad:
0x0: {  	(pc) =	sbr.rel $0x88, $3  }
0x1: {  	(tag) =	ssettag $0x0;
	lr =	simm.s32 $0x1  }
0x2: {  	[smem:$0x3F89] =	sst lr;
	_ =	strace $0xD0000000  }
0x3: {  	_ = 	snop  }
0x4: {  	_ = 	snop  }
0x5: {  	_ = 	snop  }
0x6: {  	_ = 	snop  }
0x7: {  	_ = 	snop  }
__scs_overlays_trampoline_lowered:
0x8: {  	[smem:$0x3F98] =	sst s0  }
0x9: {  	[smem:$0x3F99] =	sst s1  }
0xa: {  	[smem:$0x3F9A] =	sst s2  }
0xb: {  	[smem:$0x3F9B] =	sst s3  }
0xc: {  	[smem:$0x3F9C] =	sst s4  }
0xd: {  	[smem:$0x3F9D] =	sst s5  }
0xe: {  	[smem:$0x3F9E] =	sst s6  }
0xf: {  	[smem:$0x3F9F] =	sst s7  }
0x10: {  	[smem:$0x3FA0] =	sst s8  }
0x11: {  	[smem:$0x3FA1] =	sst s9;
	s0 =	simm.s32 @!p0 $0x0  }
0x12: {  	s1 =	sld [smem:$0x3F87];
	s0 =	simm.s32 @p0 $0x1  }
0x13: {  	[smem:$0x3FA2] =	sst s0;
	s0 =	simm.s32 @!p1 $0x0  }
0x14: {  	s2 =	sld [smem:$0x3F86];
	s0 =	simm.s32 @p1 $0x1  }
0x15: {  	[smem:$0x3FA3] =	sst s0;
	s0 =	simm.s32 @!p2 $0x0  }
0x16: {  	s3 =	sld [smem:$0x3FDB];
	s0 =	simm.s32 @p2 $0x1  }
0x17: {  	s4 =	simm.s32 $0x1BF5;
	[smem:$0x3FA5] =	sst s0  }
0x18: {  	s0 =	sld [smem:$0x3F88];
	_ =	swait.ge [sflag:s4], $0x0  }
0x19: {  	s7 =	sld [smem:$0x3F89]  }
0x1a: {  	s8 =	sadd.s32 $0xFFFFE003, lr  }
0x1b: {  	s9 =	sadd.s32 $0xFFFFFEF7, lr;
	s5 =	simm.s32 $0xFFFFFFFF;
	p2 =	slt.u32 s8, $0xFFFFF086  }
0x1c: {  	p1 =	slt.u32 s9, $0xF7A;
	s5 =	simm.s32 @!p2 $0x0  }
0x1d: {  	s5 =	simm.s32 @p1 $0x1;
	p0 =	seq.s32 s7, s2  }
0x1e: {  	s7 =	smul.u32 @!p0 $0xF7A, s2;
	p2 =	seq.s32 @!p0 s5, $0x0  }
0x1f: {  	s9 =	smul.u32 $0xF7A, s1;
	s8 =	simm.s32 @!p0 $0x1BF5;
	p2 =	por !p2, p0  }
0x20: {  	[sflag:s8] =	ssyncset.s32 @!p0 $0xFFFFF086;
	s6 =	sadd.s32 @!p0 s3, s7;
	s7 =	simm.s32 @!p0 $0x108  }
0x21: {  	s3 =	sadd.s32 s3, s9;
	s6 =	sadd.s32 @!p0 $0x88, s6;
	s7 =	simm.s32 @p2 $0x1082  }
0x22: {  	[simem:s7], [sflag:s8] =	dma.local @!p0 [hbm:s6], $0xF7A  }
0x23: {  	s9 =	sor.u32 $0xD0000000, s2;
	s6 =	simm.s32 $0x108;
	_ =	swait.ge @!p0 [sflag:s8], $0x0  }
0x24: {  	s3 =	sadd.s32 $0x88, s3;
	s6 =	simm.s32 @!p1 $0x1082;
	[sflag:s4] =	ssyncset.s32 $0xFFFFF086  }
0x25: {  	[simem:s6], [sflag:s4] =	dma.local [hbm:s3], $0xF7A  }
0x26: {  	[smem:$0x3F89] =	sst s1;
	(tag) =	ssettag s2;
	_ =	strace s9  }
0x27: {  	s1 =	sld [smem:$0x3F99]  }
0x28: {  	s2 =	sld [smem:$0x3F9A]  }
0x29: {  	s4 =	sld [smem:$0x3F9C]  }
0x2a: {  	p0 =	seq.s32 s5, $0x0;
	s5 =	sld [smem:$0x3F9D]  }
0x2b: {  	s6 =	sld [smem:$0x3F9E]  }
0x2c: {  	s7 =	sld [smem:$0x3F9F]  }
0x2d: {  	s3 =	simm.s32 $0x108;
	s8 =	sld [smem:$0x3FA0]  }
0x2e: {  	s3 =	simm.s32 @!p0 $0x1082;
	s9 =	sld [smem:$0x3FA1]  }
0x2f: {  	lr =	sadd.s32 s0, s3;
	s0 =	sld [smem:$0x3F98]  }
0x30: {  	s3 =	sld [smem:$0x3F9B]  }
0x31: {  	[smem:$0x3FA4] =	sst s10  }
0x32: {  	s10 =	sld [smem:$0x3FA2];
	_ =	sdelay $0x3  }
0x33: {  	p0 =	seq.s32 s10, $0x1;
	s10 =	sld [smem:$0x3FA4];
	_ =	sdelay $0x3  }
0x34: {  	[smem:$0x3FA4] =	sst s10  }
0x35: {  	s10 =	sld [smem:$0x3FA3];
	_ =	sdelay $0x3  }
0x36: {  	p1 =	seq.s32 s10, $0x1;
	s10 =	sld [smem:$0x3FA4];
	_ =	sdelay $0x3  }
0x37: {  	[smem:$0x3FA4] =	sst s10  }
0x38: {  	s10 =	sld [smem:$0x3FA5]  }
0x39: {  	_ = 	snop;
	(pc) =	sbr.ind lr, $3  }
0x3a: {  	_ = 	snop  }
0x3b: {  	_ = 	snop  }
0x3c: {  	p2 =	seq.s32 s10, $0x1;
	s10 =	sld [smem:$0x3FA4]  }
0x3d: {  	_ =	shalt  }
0x3e: {  	_ =	shalt  }
0x3f: {  	_ =	shalt  }
0x40: {  	_ =	shalt  }
0x41: {  	_ =	shalt  }
0x42: {  	_ =	shalt  }
0x43: {  	_ =	shalt  }
0x44: {  	_ =	shalt  }
0x45: {  	_ =	shalt  }
0x46: {  	_ =	shalt  }
0x47: {  	_ =	shalt  }
0x48: {  	_ =	shalt  }
0x49: {  	_ =	shalt  }
0x4a: {  	_ =	shalt  }
0x4b: {  	_ =	shalt  }
0x4c: {  	_ =	shalt  }
0x4d: {  	_ =	shalt  }
0x4e: {  	_ =	shalt  }
0x4f: {  	_ =	shalt  }
0x50: {  	_ =	shalt  }
0x51: {  	_ =	shalt  }
0x52: {  	_ =	shalt  }
0x53: {  	_ =	shalt  }
0x54: {  	_ =	shalt  }
0x55: {  	_ =	shalt  }
0x56: {  	_ =	shalt  }
0x57: {  	_ =	shalt  }
0x58: {  	_ =	shalt  }
0x59: {  	_ =	shalt  }
0x5a: {  	_ =	shalt  }
0x5b: {  	_ =	shalt  }
0x5c: {  	_ =	shalt  }
0x5d: {  	_ =	shalt  }
0x5e: {  	_ =	shalt  }
0x5f: {  	_ =	shalt  }
0x60: {  	_ =	shalt  }
0x61: {  	_ =	shalt  }
0x62: {  	_ =	shalt  }
0x63: {  	_ =	shalt  }
0x64: {  	_ =	shalt  }
0x65: {  	_ =	shalt  }
0x66: {  	_ =	shalt  }
0x67: {  	_ =	shalt  }
0x68: {  	_ =	shalt  }
0x69: {  	_ =	shalt  }
0x6a: {  	_ =	shalt  }
0x6b: {  	_ =	shalt  }
0x6c: {  	_ =	shalt  }
0x6d: {  	_ =	shalt  }
0x6e: {  	_ =	shalt  }
0x6f: {  	_ =	shalt  }
0x70: {  	_ =	shalt  }
0x71: {  	_ =	shalt  }
0x72: {  	_ =	shalt  }
0x73: {  	_ =	shalt  }
0x74: {  	_ =	shalt  }
0x75: {  	_ =	shalt  }
0x76: {  	_ =	shalt  }
0x77: {  	_ =	shalt  }
0x78: {  	_ =	shalt  }
0x79: {  	_ =	shalt  }
0x7a: {  	_ =	shalt  }
0x7b: {  	_ =	shalt  }
0x7c: {  	_ =	shalt  }
0x7d: {  	_ =	shalt  }
0x7e: {  	_ =	shalt  }
0x7f: {  	_ =	shalt  }
0x80: {  	_ =	shalt  }
0x81: {  	_ =	shalt  }
0x82: {  	_ =	shalt  }
0x83: {  	_ =	shalt  }
0x84: {  	_ =	shalt  }
0x85: {  	_ =	shalt  }
0x86: {  	_ =	shalt  }
0x87: {  	_ =	shalt  }
.Lfunc_end0:
.L_simem_size_0:
called_computation.1_lowered:
.L_overlay_start_0:
0x88: {  	s2 =	sld [smem:$0x3FD9]  }
0x89: {  	s3 =	sld [smem:$0x3FFE];
	_ =	sdelay $0x1  }
0x8a: {  	s1 =	srdreg.scid  }
0x8b: {  	s0 =	sand.u32 $0x1, s1  }
0x8c: {  	s17 =	sshll.u32 s0, $0xA;
	s2 =	sadd.s32 s3, s2  }
0x8d: {  	s2 =	sadd.s32 s2, s17  }
0x8e: {  	[smem:$0x3FB0] =	sst s2  }
0x8f: {  	_ = 	snop  }
0x90: {  	s2 =	sld [smem:$0x3FC6]  }
0x91: {  	s18 =	sld [smem:$0x3FD0];
	(tm) =	ssettm $0x1  }
0x92: {  	s4 =	sld [smem:$0x3FFB];
	_ =	sdelay $0x3  }
0x93: {  	_ =	strace s4  }
0x94: {  	s4 =	sld [smem:$0x3FFC];
	_ =	sdelay $0x3  }
0x95: {  	_ =	strace s4  }
0x96: {  	s4 =	sld [smem:$0x3FFD];
	_ =	sdelay $0x3  }
0x97: {  	_ =	strace s4  }
0x98: {  	_ =	strace $0x8FFFFFFF  }
0x99: {  	s19 =	sld [smem:$0x3FDB];
	_ =	sdelay $0x1  }
0x9a: {  	s5 =	simm.s32 $_scs_section_size  }
0x9b: {  	s6 =	simm.s32 $_size__tile_overlayer_lowered;
	s7 =	simm.s32 $_tile_overlayer_lowered  }
0x9c: {  	s22 =	simm.s32 $0x1BFF;
	s21 =	sshll.u32 s7, $0x1;
	s4 =	sadd.s32 s5, s19  }
0x9d: {  	s8 =	simm.s32 $0x0;
	s20 =	sshll.u32 s6, $0x1;
	s6 =	sadd.s32 s21, s4  }
0x9e: {  	[timem:s8], [sflag:s22] =	dma.local [hbm:s6], s20  }
0x9f: {  	_ =	swait.ge [sflag:s22], s20  }
0xa0: {  	s5 =	ssub.s32 $0x0, s20;
	[sflag:s22] =	ssyncset.done $0x0  }
0xa1: {  	[sflag:s22] =	ssyncadd.s32 s5;
	_ =	sdelay $0x1  }
0xa2: {  	s23 =	simm.s32 $0x1B8B  }
0xa3: {  	_ =	swait.ge [sflag:s23], $0x1  }
0xa4: {  	[sflag:s23] =	ssyncset.done $0x0  }
0xa5: {  	s25 =	simm.s32 $0x1B8E;
	s24 =	sld [smem:$0x3FFE];
	[sflag:s23] =	ssyncadd.s32 $0xFFFFFFFF  }
0xa6: {  	s26 =	simm.s32 $execute0_lowered;
	[smem:$0x3FD2] =	sst s25  }
0xa7: {  	s6 =	sshll.u32 s26, $0x1;
	_ =	strace $0x80000046;
	[dreg:$0x1] =	wrdreg $0xFFFFFFFF  }
0xa8: {  	s28 =	simm.s32 $_size_execute0_lowered;
	s4 =	sadd.s32 s4, s6;
	[dreg:$0x0] =	wrdreg $0x0  }
0xa9: {  	s6 =	sshll.u32 s28, $0x1;
	[dreg:$0x2] =	wrdreg s4  }
0xaa: {  	[dreg:$0x3] =	wrdreg s6  }
0xab: {  	[dreg:$0x4] =	wrdreg $0xC0  }
0xac: {  	_ =	task [dreg:s8], $0x5FFFF  }
0xad: {  	[dreg:$0x1] =	wrdreg $0xFFFFFFFF  }
0xae: {  	[dreg:$0x0] =	wrdreg $0x60  }
0xaf: {  	[dreg:$0x2] =	wrdreg s2  }
0xb0: {  	[dreg:$0x3] =	wrdreg s18  }
0xb1: {  	[dreg:$0x4] =	wrdreg s24  }
0xb2: {  	[dreg:$0x5] =	wrdreg $0xA  }
0xb3: {  	_ =	task.clear_ibuf [dreg:s8], $0x6FFFF;
	_ =	strace $0x90000046  }
0xb4: {  	s29 =	simm.s32 $0xA;
	_ =	strace $0x80000048  }
0xb5: {  	_ =	swait.ge [sflag:s29], $0x1  }
0xb6: {  	[sflag:s29] =	ssyncadd.s32 $0xFFFFFFFF  }
0xb7: {  	_ =	strace $0x90000048  }
0xb8: {  	_ =	sfence  }
0xb9: {  	s30 =	sld [smem:$0x0];
	_ =	sdelay $0x2  }
0xba: {  	s31 =	sshll.u32 s1, $0xD;
	s1 =	sshrl.u32 s1, $0x2  }
0xbb: {  	s3 =	sand.u32 $0x4000, s31;
	s1 =	sadd.s32 s1, s30  }
0xbc: {  	s0 =	sor.u32 s3, s0;
	s1 =	sshll.u32 s1, $0x11  }
0xbd: {  	s0 =	sor.u32 s1, s0  }
0xbe: {  	s0 =	sadd.s32 $0x8F2B, s0  }
0xbf: {  	[sflag:s0] =	ssyncadd.remote.s32 $0x1  }
0xc0: {  	_ =	sfence.sel $0xFFFF  }
0xc1: {  	[dreg:$0x0] =	wrdreg $0xFFFFFFFF;
	(pc) =	sbr.abs _section_cstart, $3  }
0xc2: {  	[dreg:$0x1] =	wrdreg $0xFFFFFFFF  }
0xc3: {  	_ =	task.clear_ibuf [dreg:s8], $0x2FFFF;
	_ =	strace $0x9FFFFFFF  }
0xc4: {  	(tm) =	ssettm $0x7FFFFFFF  }
0xc5: {  	_ =	shalt  }
tec
execute0_lowered:
.L_overlay_start_1:
0x0: {  	(tag) =	ssettag $0x1  }
0x1: {  	s1 =	srdreg.scid;
	s0 =	stileid.u32  }
0x2: {  	s1 =	sand.u32 $0x1, s1;
	s2 =	sshll.u32 s0, $0x1  }
0x3: {  	s4 =	sor.u32 s1, s2  }
0x4: {  	p1 =	seq.s32 s1, $0x1;
	p0 =	seq.s32 s4, $0x0  }
0x5: {  	p0 =	por !p0, !p1  }
0x6: {  	s3 =	simm.s32 $0x1;
	p0 =	por !p0, !p0  }
0x7: {  	s3 =	simm.s32 @!p0 $0x0  }
0x8: {  	s5 =	rddreg [dreg:$0x1];
	s3 =	ssub.s32 s0, s3  }
0x9: {  	s7 =	rddreg [dreg:$0x2];
	s6 =	sshll.u32 s1, $0xA;
	s3 =	sshll.u32 s3, $0xB  }
0xa: {  	s2 =	rddreg [dreg:$0x0];
	s4 =	sshll.u32 s4, $0xE;
	s6 =	sor.u32 s6, s3  }
0xb: {  	s31 =	sadd.s32 s4, s7;
	s3 =	simm.s32 $0x0;
	s6 =	sadd.s32 $0x8000, s6  }
0xc: {  	s4 =	sadd.s32 $0x3600, s31;
	[smem:$0x7FF] =	sst s3;
	s6 =	sshrl.u32 s6, $0x3  }
0xd: {  	_ =	strace $0x80000047;
	[dreg:$0x5] =	wrdreg s4;
	s5 =	sadd.s32 s5, s6  }
0xe: {  	[dreg:$0x4] =	wrdreg s5  }
0xf: {  	s4 =	simm.s32 $0x9;
	s5 =	rddreg [dreg:$0x4]  }
0x10: {  	[tilespmem:s3], [sflag:$0x9] =	stream.linear.gather [hbm4b:s5+s3], $0x400, $0x38;
	[tilespmem:$0x10400] =	vst v63  }
0x11: {  	_ =	swait.ge [sflag:s4], $0x400  }
0x12: {  	[sflag:s4] =	ssyncset.done $0x0  }
0x13: {  	s6 =	simm.s32 $0x400;
	s5 =	simm.s32 $0x80;
	[sflag:s4] =	ssyncadd.s32 $0xFFFFFC00  }
0x14: {  	[tilespmem:s6], [sflag:$0x1] =	stream.indirect.gather [hbm4b:s2+s5], $0x80, s3, s5, $0xb8;
	[tilespmem:$0x10400] =	vst v63  }
0x15: {  	s7 =	simm.s32 $0x4400  }
0x16: {  	[tilespmem:s7], [sflag:$0x2] =	stream.indirect.gather [hbm4b:s2+s5], $0x80, s5, s5, $0xb8;
	[tilespmem:$0x10400] =	vst v63  }
0x17: {  	s8 =	simm.s32 $0x1;
	s9 =	simm.s32 $0x100;
	s10 =	simm.s32 $0x8400  }
0x18: {  	[tilespmem:s10], [sflag:$0x3] =	stream.indirect.gather [hbm4b:s2+s5], $0x80, s9, s5, $0xb8;
	[tilespmem:$0x10400] =	vst v63  }
0x19: {  	_ =	swait.ge [sflag:s8], $0x4000  }
0x1a: {  	[sflag:s8] =	ssyncset.done $0x0  }
0x1b: {  	s11 =	rddreg [dreg:$0x5];
	[sflag:s8] =	ssyncadd.s32 $0xFFFFC000  }
0x1c: {  	[hbm4b:s11+s3] =	stream.linear.scatter [tilespmem:s6], [sflag:$0x5], $0x4000, $0x38;
	[tilespmem:$0x10400] =	vst v63  }
0x1d: {  	s12 =	simm.s32 $0xC400;
	s13 =	simm.s32 $0x2;
	s11 =	simm.s32 $0x180  }
0x1e: {  	[tilespmem:s12], [sflag:$0x4] =	stream.indirect.gather [hbm4b:s2+s5], $0x80, s11, s5, $0xb8;
	[tilespmem:$0x10400] =	vst v63  }
0x1f: {  	_ =	swait.ge [sflag:s13], $0x4000  }
0x20: {  	[sflag:s13] =	ssyncset.done $0x0  }
0x21: {  	s15 =	simm.s32 $0x5;
	s14 =	sadd.s32 $0x3E00, s31;
	[sflag:s13] =	ssyncadd.s32 $0xFFFFC000  }
0x22: {  	[hbm4b:s14+s3] =	stream.linear.scatter [tilespmem:s7], [sflag:$0x6], $0x4000, $0x38;
	[tilespmem:$0x10400] =	vst v63  }
0x23: {  	_ =	swait.ge [sflag:s15], $0x4000  }
0x24: {  	[sflag:s15] =	ssyncset.done $0x0  }
0x25: {  	s16 =	simm.s32 $0x200;
	s17 =	simm.s32 $0x3;
	[sflag:s15] =	ssyncadd.s32 $0xFFFFC000  }
0x26: {  	[tilespmem:s6], [sflag:$0x1] =	stream.indirect.gather [hbm4b:s2+s5], $0x80, s16, s5, $0xb8;
	[tilespmem:$0x10400] =	vst v63  }
0x27: {  	_ =	swait.ge [sflag:s17], $0x4000  }
0x28: {  	[sflag:s17] =	ssyncset.done $0x0  }
0x29: {  	s19 =	simm.s32 $0x6;
	s18 =	sadd.s32 $0x4600, s31;
	[sflag:s17] =	ssyncadd.s32 $0xFFFFC000  }
0x2a: {  	[hbm4b:s18+s3] =	stream.linear.scatter [tilespmem:s10], [sflag:$0x7], $0x4000, $0x38;
	[tilespmem:$0x10400] =	vst v63  }
0x2b: {  	_ =	swait.ge [sflag:s19], $0x4000  }
0x2c: {  	[sflag:s19] =	ssyncset.done $0x0  }
0x2d: {  	s20 =	simm.s32 $0x280;
	s21 =	simm.s32 $0x4;
	[sflag:s19] =	ssyncadd.s32 $0xFFFFC000  }
0x2e: {  	[tilespmem:s7], [sflag:$0x2] =	stream.indirect.gather [hbm4b:s2+s5], $0x80, s20, s5, $0xb8;
	[tilespmem:$0x10400] =	vst v63  }
0x2f: {  	_ =	swait.ge [sflag:s21], $0x4000  }
0x30: {  	[sflag:s21] =	ssyncset.done $0x0  }
0x31: {  	s23 =	simm.s32 $0x7;
	s22 =	sadd.s32 $0x4E00, s31;
	[sflag:s21] =	ssyncadd.s32 $0xFFFFC000  }
0x32: {  	[hbm4b:s22+s3] =	stream.linear.scatter [tilespmem:s12], [sflag:$0x8], $0x4000, $0x38;
	[tilespmem:$0x10400] =	vst v63  }
0x33: {  	_ =	swait.ge [sflag:s23], $0x4000  }
0x34: {  	[sflag:s23] =	ssyncset.done $0x0  }
0x35: {  	s24 =	simm.s32 $0x300;
	[sflag:s23] =	ssyncadd.s32 $0xFFFFC000  }
0x36: {  	[tilespmem:s10], [sflag:$0x3] =	stream.indirect.gather [hbm4b:s2+s5], $0x80, s24, s5, $0xb8;
	[tilespmem:$0x10400] =	vst v63  }
0x37: {  	_ =	swait.ge [sflag:s8], $0x4000  }
0x38: {  	[sflag:s8] =	ssyncset.done $0x0  }
0x39: {  	s25 =	simm.s32 $0x8;
	s26 =	sadd.s32 $0x5600, s31;
	[sflag:s8] =	ssyncadd.s32 $0xFFFFC000  }
0x3a: {  	[hbm4b:s26+s3] =	stream.linear.scatter [tilespmem:s6], [sflag:$0x5], $0x4000, $0x38;
	[tilespmem:$0x10400] =	vst v63  }
0x3b: {  	_ =	swait.ge [sflag:s25], $0x4000  }
0x3c: {  	[sflag:s25] =	ssyncset.done $0x0  }
0x3d: {  	s28 =	simm.s32 $0x380;
	[sflag:s25] =	ssyncadd.s32 $0xFFFFC000  }
0x3e: {  	[tilespmem:s12], [sflag:$0x4] =	stream.indirect.gather [hbm4b:s2+s5], $0x80, s28, s5, $0xb8;
	[tilespmem:$0x10400] =	vst v63  }
0x3f: {  	_ =	swait.ge [sflag:s13], $0x4000  }
0x40: {  	[sflag:s13] =	ssyncset.done $0x0  }
0x41: {  	s29 =	sadd.s32 $0x5E00, s31;
	[sflag:s13] =	ssyncadd.s32 $0xFFFFC000  }
0x42: {  	[hbm4b:s29+s3] =	stream.linear.scatter [tilespmem:s7], [sflag:$0x6], $0x4000, $0x38;
	[tilespmem:$0x10400] =	vst v63  }
0x43: {  	_ =	swait.ge [sflag:s17], $0x4000  }
0x44: {  	[sflag:s17] =	ssyncset.done $0x0  }
0x45: {  	s30 =	sadd.s32 $0x6600, s31;
	[sflag:s17] =	ssyncadd.s32 $0xFFFFC000  }
0x46: {  	[hbm4b:s30+s3] =	stream.linear.scatter [tilespmem:s10], [sflag:$0x7], $0x4000, $0x38;
	[tilespmem:$0x10400] =	vst v63  }
0x47: {  	_ =	swait.ge [sflag:s21], $0x4000  }
0x48: {  	[sflag:s21] =	ssyncset.done $0x0  }
0x49: {  	s31 =	sadd.s32 $0x6E00, s31;
	[sflag:s21] =	ssyncadd.s32 $0xFFFFC000  }
0x4a: {  	[hbm4b:s31+s3] =	stream.linear.scatter [tilespmem:s12], [sflag:$0x8], $0x4000, $0x38;
	[tilespmem:$0x10400] =	vst v63  }
0x4b: {  	s1 =	ssub.s32 $0x2, s1;
	_ =	swait.ge [sflag:s15], $0x4000  }
0x4c: {  	s0 =	sshrl.u32 s1, $0x1;
	[sflag:s15] =	ssyncset.done $0x0  }
0x4d: {  	s0 =	ssub.s32 s1, s0;
	[sflag:s15] =	ssyncadd.s32 $0xFFFFC000  }
0x4e: {  	s0 =	smax.u32 s0, $0x1;
	_ =	swait.ge [sflag:s19], $0x4000  }
0x4f: {  	p0 =	sne.s32 s0, $0x1;
	[sflag:s19] =	ssyncset.done $0x0  }
.Ltmp0:
0x50: {  	[sflag:s19] =	ssyncadd.s32 $0xFFFFC000;
	(pc) =	sbr.rel @!p0 .LBB2_2-.Ltmp0, $4  }
0x51: {  	_ =	swait.ge [sflag:s23], $0x4000  }
0x52: {  	[sflag:s23] =	ssyncset.done $0x0  }
0x53: {  	[sflag:s23] =	ssyncadd.s32 $0xFFFFC000  }
0x54: {  	s1 =	sadd.s32 $0xFFFFFFFF, s0;
	_ =	swait.ge [sflag:s25], $0x4000  }
.LBB2_1:
0x55: {  	[sflag:s25] =	ssyncset.done $0x0  }
0x56: {  	s0 =	rddreg [dreg:$0x4];
	[sflag:s25] =	ssyncadd.s32 $0xFFFFC000  }
0x57: {  	[tilespmem:s3], [sflag:$0x9] =	stream.linear.gather [hbm4b:s0+s3], $0x400, $0x38;
	[tilespmem:$0x10400] =	vst v63  }
0x58: {  	_ =	swait.ge [sflag:s4], $0x400  }
0x59: {  	[sflag:s4] =	ssyncset.done $0x0  }
0x5a: {  	[sflag:s4] =	ssyncadd.s32 $0xFFFFFC00  }
0x5b: {  	[tilespmem:s6], [sflag:$0x1] =	stream.indirect.gather [hbm4b:s2+s5], $0x80, s3, s5, $0xb8;
	[tilespmem:$0x10400] =	vst v63  }
0x5c: {  	_ = 	snop  }
0x5d: {  	[tilespmem:s7], [sflag:$0x2] =	stream.indirect.gather [hbm4b:s2+s5], $0x80, s5, s5, $0xb8;
	[tilespmem:$0x10400] =	vst v63  }
0x5e: {  	_ = 	snop  }
0x5f: {  	[tilespmem:s10], [sflag:$0x3] =	stream.indirect.gather [hbm4b:s2+s5], $0x80, s9, s5, $0xb8;
	[tilespmem:$0x10400] =	vst v63  }
0x60: {  	_ =	swait.ge [sflag:s8], $0x4000  }
0x61: {  	[sflag:s8] =	ssyncset.done $0x0  }
0x62: {  	s0 =	rddreg [dreg:$0x5];
	[sflag:s8] =	ssyncadd.s32 $0xFFFFC000  }
0x63: {  	[hbm4b:s0+s3] =	stream.linear.scatter [tilespmem:s6], [sflag:$0x5], $0x4000, $0x38;
	[tilespmem:$0x10400] =	vst v63  }
0x64: {  	_ = 	snop  }
0x65: {  	[tilespmem:s12], [sflag:$0x4] =	stream.indirect.gather [hbm4b:s2+s5], $0x80, s11, s5, $0xb8;
	[tilespmem:$0x10400] =	vst v63  }
0x66: {  	_ =	swait.ge [sflag:s13], $0x4000  }
0x67: {  	[sflag:s13] =	ssyncset.done $0x0  }
0x68: {  	[sflag:s13] =	ssyncadd.s32 $0xFFFFC000  }
0x69: {  	[hbm4b:s14+s3] =	stream.linear.scatter [tilespmem:s7], [sflag:$0x6], $0x4000, $0x38;
	[tilespmem:$0x10400] =	vst v63  }
0x6a: {  	_ =	swait.ge [sflag:s15], $0x4000  }
0x6b: {  	[sflag:s15] =	ssyncset.done $0x0  }
0x6c: {  	[sflag:s15] =	ssyncadd.s32 $0xFFFFC000  }
0x6d: {  	[tilespmem:s6], [sflag:$0x1] =	stream.indirect.gather [hbm4b:s2+s5], $0x80, s16, s5, $0xb8;
	[tilespmem:$0x10400] =	vst v63  }
0x6e: {  	_ =	swait.ge [sflag:s17], $0x4000  }
0x6f: {  	[sflag:s17] =	ssyncset.done $0x0  }
0x70: {  	[sflag:s17] =	ssyncadd.s32 $0xFFFFC000  }
0x71: {  	[hbm4b:s18+s3] =	stream.linear.scatter [tilespmem:s10], [sflag:$0x7], $0x4000, $0x38;
	[tilespmem:$0x10400] =	vst v63  }
0x72: {  	_ =	swait.ge [sflag:s19], $0x4000  }
0x73: {  	[sflag:s19] =	ssyncset.done $0x0  }
0x74: {  	[sflag:s19] =	ssyncadd.s32 $0xFFFFC000  }
0x75: {  	[tilespmem:s7], [sflag:$0x2] =	stream.indirect.gather [hbm4b:s2+s5], $0x80, s20, s5, $0xb8;
	[tilespmem:$0x10400] =	vst v63  }
0x76: {  	_ =	swait.ge [sflag:s21], $0x4000  }
0x77: {  	[sflag:s21] =	ssyncset.done $0x0  }
0x78: {  	[sflag:s21] =	ssyncadd.s32 $0xFFFFC000  }
0x79: {  	[hbm4b:s22+s3] =	stream.linear.scatter [tilespmem:s12], [sflag:$0x8], $0x4000, $0x38;
	[tilespmem:$0x10400] =	vst v63  }
0x7a: {  	_ =	swait.ge [sflag:s23], $0x4000  }
0x7b: {  	[sflag:s23] =	ssyncset.done $0x0  }
0x7c: {  	[sflag:s23] =	ssyncadd.s32 $0xFFFFC000  }
0x7d: {  	[tilespmem:s10], [sflag:$0x3] =	stream.indirect.gather [hbm4b:s2+s5], $0x80, s24, s5, $0xb8;
	[tilespmem:$0x10400] =	vst v63  }
0x7e: {  	_ =	swait.ge [sflag:s8], $0x4000  }
0x7f: {  	[sflag:s8] =	ssyncset.done $0x0  }
0x80: {  	[sflag:s8] =	ssyncadd.s32 $0xFFFFC000  }
0x81: {  	[hbm4b:s26+s3] =	stream.linear.scatter [tilespmem:s6], [sflag:$0x5], $0x4000, $0x38;
	[tilespmem:$0x10400] =	vst v63  }
0x82: {  	_ =	swait.ge [sflag:s25], $0x4000  }
0x83: {  	[sflag:s25] =	ssyncset.done $0x0  }
0x84: {  	[sflag:s25] =	ssyncadd.s32 $0xFFFFC000  }
0x85: {  	[tilespmem:s12], [sflag:$0x4] =	stream.indirect.gather [hbm4b:s2+s5], $0x80, s28, s5, $0xb8;
	[tilespmem:$0x10400] =	vst v63  }
0x86: {  	_ =	swait.ge [sflag:s13], $0x4000  }
0x87: {  	[sflag:s13] =	ssyncset.done $0x0  }
0x88: {  	[sflag:s13] =	ssyncadd.s32 $0xFFFFC000  }
0x89: {  	[hbm4b:s29+s3] =	stream.linear.scatter [tilespmem:s7], [sflag:$0x6], $0x4000, $0x38;
	[tilespmem:$0x10400] =	vst v63  }
0x8a: {  	_ =	swait.ge [sflag:s17], $0x4000  }
0x8b: {  	[sflag:s17] =	ssyncset.done $0x0  }
0x8c: {  	[sflag:s17] =	ssyncadd.s32 $0xFFFFC000  }
0x8d: {  	[hbm4b:s30+s3] =	stream.linear.scatter [tilespmem:s10], [sflag:$0x7], $0x4000, $0x38;
	[tilespmem:$0x10400] =	vst v63  }
0x8e: {  	_ =	swait.ge [sflag:s21], $0x4000  }
0x8f: {  	[sflag:s21] =	ssyncset.done $0x0  }
0x90: {  	[sflag:s21] =	ssyncadd.s32 $0xFFFFC000  }
0x91: {  	[hbm4b:s31+s3] =	stream.linear.scatter [tilespmem:s12], [sflag:$0x8], $0x4000, $0x38;
	[tilespmem:$0x10400] =	vst v63  }
0x92: {  	_ =	swait.ge [sflag:s15], $0x4000  }
0x93: {  	[sflag:s15] =	ssyncset.done $0x0  }
0x94: {  	[sflag:s15] =	ssyncadd.s32 $0xFFFFC000  }
0x95: {  	_ =	swait.ge [sflag:s19], $0x4000  }
0x96: {  	p0 =	sne.s32 s1, $0x1;
	[sflag:s19] =	ssyncset.done $0x0  }
.Ltmp1:
0x97: {  	[sflag:s19] =	ssyncadd.s32 $0xFFFFC000;
	(pc) =	sbr.rel @p0 .LBB2_1-.Ltmp1, $4  }
0x98: {  	_ =	swait.ge [sflag:s23], $0x4000  }
0x99: {  	[sflag:s23] =	ssyncset.done $0x0  }
0x9a: {  	[sflag:s23] =	ssyncadd.s32 $0xFFFFC000  }
0x9b: {  	s1 =	sadd.s32 $0xFFFFFFFF, s1;
	_ =	swait.ge [sflag:s25], $0x4000  }
.LBB2_2:
0x9c: {  	[sflag:s25] =	ssyncset.done $0x0  }
0x9d: {  	[sflag:s25] =	ssyncadd.s32 $0xFFFFC000  }
0x9e: {  	_ =	sfence.sel $0x180000  }
0x9f: {  	[bflag:$0x0] =	sbarrier.arrive $0xFFFF  }
0xa0: {  	_ =	strace $0x90000047  }
0xa1: {  	s0 =	stileid.u32;
	[bflag:$0x2] =	sbarrier.arrive $0xFFFF  }
0xa2: {  	p0 =	sne.s32 s0, $0x0;
	s0 =	rddreg [dreg:$0x3]  }
0xa3: {  	s0 =	sadd.s32 @!p0 $0x100000, s0  }
0xa4: {  	[sflag:s0] =	ssyncadd.tile.s32 @!p0 $0x1;
	_ =	shalt  }
.Lfunc_end2:
_tile_overlayer_lowered:
.L_overlay_start_2:
0xa5: {  	(tag) =	ssettag $0x2  }
0xa6: {  	s0 =	rddreg [dreg:$0x0];
	s2 =	stileid.u32  }
0xa7: {  	s1 =	rddreg [dreg:$0x1];
	p0 =	sne.s32 s2, $0x0  }
0xa8: {  	s3 =	rddreg [dreg:$0x2];
	[bflag:$0x3] =	sbarrier.arrive $0xFFFF;
	s2 =	simm.s32 @!p0 $0x1C09  }
0xa9: {  	[timem:s3], [sflag:s2] =	dma.local @!p0 [hbm:s0], s1  }
0xaa: {  	s0 =	simm.s32 @!p0 $0x9  }
0xab: {  	_ =	swait.ge @!p0 [sflag:s0], s1  }
0xac: {  	s1 =	ssub.s32 @!p0 $0x0, s1;
	[sflag:s0] =	ssyncset.done @!p0 $0x0  }
0xad: {  	[sflag:s0] =	ssyncadd.s32 @!p0 s1  }
0xae: {  	[bflag:$0x3] =	sbarrier.arrive $0xFFFF  }
0xaf: {  	_ =	shalt  }

// kernel: kernel.7.cloned.1.call-start
scs
__scs_entry_jumppad:
0x0: {  	(pc) =	sbr.rel $0x88, $3  }
0x1: {  	(tag) =	ssettag $0x0;
	lr =	simm.s32 $0x1  }
0x2: {  	[smem:$0x3F89] =	sst lr;
	_ =	strace $0xD0000000  }
0x3: {  	_ = 	snop  }
0x4: {  	_ = 	snop  }
0x5: {  	_ = 	snop  }
0x6: {  	_ = 	snop  }
0x7: {  	_ = 	snop  }
__scs_overlays_trampoline_lowered:
0x8: {  	[smem:$0x3F98] =	sst s0  }
0x9: {  	[smem:$0x3F99] =	sst s1  }
0xa: {  	[smem:$0x3F9A] =	sst s2  }
0xb: {  	[smem:$0x3F9B] =	sst s3  }
0xc: {  	[smem:$0x3F9C] =	sst s4  }
0xd: {  	[smem:$0x3F9D] =	sst s5  }
0xe: {  	[smem:$0x3F9E] =	sst s6  }
0xf: {  	[smem:$0x3F9F] =	sst s7  }
0x10: {  	[smem:$0x3FA0] =	sst s8  }
0x11: {  	[smem:$0x3FA1] =	sst s9;
	s0 =	simm.s32 @!p0 $0x0  }
0x12: {  	s1 =	sld [smem:$0x3F87];
	s0 =	simm.s32 @p0 $0x1  }
0x13: {  	[smem:$0x3FA2] =	sst s0;
	s0 =	simm.s32 @!p1 $0x0  }
0x14: {  	s2 =	sld [smem:$0x3F86];
	s0 =	simm.s32 @p1 $0x1  }
0x15: {  	[smem:$0x3FA3] =	sst s0;
	s0 =	simm.s32 @!p2 $0x0  }
0x16: {  	s3 =	sld [smem:$0x3FDB];
	s0 =	simm.s32 @p2 $0x1  }
0x17: {  	s4 =	simm.s32 $0x1BF5;
	[smem:$0x3FA5] =	sst s0  }
0x18: {  	s0 =	sld [smem:$0x3F88];
	_ =	swait.ge [sflag:s4], $0x0  }
0x19: {  	s7 =	sld [smem:$0x3F89]  }
0x1a: {  	s8 =	sadd.s32 $0xFFFFE003, lr  }
0x1b: {  	s9 =	sadd.s32 $0xFFFFFEF7, lr;
	s5 =	simm.s32 $0xFFFFFFFF;
	p2 =	slt.u32 s8, $0xFFFFF086  }
0x1c: {  	p1 =	slt.u32 s9, $0xF7A;
	s5 =	simm.s32 @!p2 $0x0  }
0x1d: {  	s5 =	simm.s32 @p1 $0x1;
	p0 =	seq.s32 s7, s2  }
0x1e: {  	s7 =	smul.u32 @!p0 $0xF7A, s2;
	p2 =	seq.s32 @!p0 s5, $0x0  }
0x1f: {  	s9 =	smul.u32 $0xF7A, s1;
	s8 =	simm.s32 @!p0 $0x1BF5;
	p2 =	por !p2, p0  }
0x20: {  	[sflag:s8] =	ssyncset.s32 @!p0 $0xFFFFF086;
	s6 =	sadd.s32 @!p0 s3, s7;
	s7 =	simm.s32 @!p0 $0x108  }
0x21: {  	s3 =	sadd.s32 s3, s9;
	s6 =	sadd.s32 @!p0 $0x88, s6;
	s7 =	simm.s32 @p2 $0x1082  }
0x22: {  	[simem:s7], [sflag:s8] =	dma.local @!p0 [hbm:s6], $0xF7A  }
0x23: {  	s9 =	sor.u32 $0xD0000000, s2;
	s6 =	simm.s32 $0x108;
	_ =	swait.ge @!p0 [sflag:s8], $0x0  }
0x24: {  	s3 =	sadd.s32 $0x88, s3;
	s6 =	simm.s32 @!p1 $0x1082;
	[sflag:s4] =	ssyncset.s32 $0xFFFFF086  }
0x25: {  	[simem:s6], [sflag:s4] =	dma.local [hbm:s3], $0xF7A  }
0x26: {  	[smem:$0x3F89] =	sst s1;
	(tag) =	ssettag s2;
	_ =	strace s9  }
0x27: {  	s1 =	sld [smem:$0x3F99]  }
0x28: {  	s2 =	sld [smem:$0x3F9A]  }
0x29: {  	s4 =	sld [smem:$0x3F9C]  }
0x2a: {  	p0 =	seq.s32 s5, $0x0;
	s5 =	sld [smem:$0x3F9D]  }
0x2b: {  	s6 =	sld [smem:$0x3F9E]  }
0x2c: {  	s7 =	sld [smem:$0x3F9F]  }
0x2d: {  	s3 =	simm.s32 $0x108;
	s8 =	sld [smem:$0x3FA0]  }
0x2e: {  	s3 =	simm.s32 @!p0 $0x1082;
	s9 =	sld [smem:$0x3FA1]  }
0x2f: {  	lr =	sadd.s32 s0, s3;
	s0 =	sld [smem:$0x3F98]  }
0x30: {  	s3 =	sld [smem:$0x3F9B]  }
0x31: {  	[smem:$0x3FA4] =	sst s10  }
0x32: {  	s10 =	sld [smem:$0x3FA2];
	_ =	sdelay $0x3  }
0x33: {  	p0 =	seq.s32 s10, $0x1;
	s10 =	sld [smem:$0x3FA4];
	_ =	sdelay $0x3  }
0x34: {  	[smem:$0x3FA4] =	sst s10  }
0x35: {  	s10 =	sld [smem:$0x3FA3];
	_ =	sdelay $0x3  }
0x36: {  	p1 =	seq.s32 s10, $0x1;
	s10 =	sld [smem:$0x3FA4];
	_ =	sdelay $0x3  }
0x37: {  	[smem:$0x3FA4] =	sst s10  }
0x38: {  	s10 =	sld [smem:$0x3FA5]  }
0x39: {  	_ = 	snop;
	(pc) =	sbr.ind lr, $3  }
0x3a: {  	_ = 	snop  }
0x3b: {  	_ = 	snop  }
0x3c: {  	p2 =	seq.s32 s10, $0x1;
	s10 =	sld [smem:$0x3FA4]  }
0x3d: {  	_ =	shalt  }
0x3e: {  	_ =	shalt  }
0x3f: {  	_ =	shalt  }
0x40: {  	_ =	shalt  }
0x41: {  	_ =	shalt  }
0x42: {  	_ =	shalt  }
0x43: {  	_ =	shalt  }
0x44: {  	_ =	shalt  }
0x45: {  	_ =	shalt  }
0x46: {  	_ =	shalt  }
0x47: {  	_ =	shalt  }
0x48: {  	_ =	shalt  }
0x49: {  	_ =	shalt  }
0x4a: {  	_ =	shalt  }
0x4b: {  	_ =	shalt  }
0x4c: {  	_ =	shalt  }
0x4d: {  	_ =	shalt  }
0x4e: {  	_ =	shalt  }
0x4f: {  	_ =	shalt  }
0x50: {  	_ =	shalt  }
0x51: {  	_ =	shalt  }
0x52: {  	_ =	shalt  }
0x53: {  	_ =	shalt  }
0x54: {  	_ =	shalt  }
0x55: {  	_ =	shalt  }
0x56: {  	_ =	shalt  }
0x57: {  	_ =	shalt  }
0x58: {  	_ =	shalt  }
0x59: {  	_ =	shalt  }
0x5a: {  	_ =	shalt  }
0x5b: {  	_ =	shalt  }
0x5c: {  	_ =	shalt  }
0x5d: {  	_ =	shalt  }
0x5e: {  	_ =	shalt  }
0x5f: {  	_ =	shalt  }
0x60: {  	_ =	shalt  }
0x61: {  	_ =	shalt  }
0x62: {  	_ =	shalt  }
0x63: {  	_ =	shalt  }
0x64: {  	_ =	shalt  }
0x65: {  	_ =	shalt  }
0x66: {  	_ =	shalt  }
0x67: {  	_ =	shalt  }
0x68: {  	_ =	shalt  }
0x69: {  	_ =	shalt  }
0x6a: {  	_ =	shalt  }
0x6b: {  	_ =	shalt  }
0x6c: {  	_ =	shalt  }
0x6d: {  	_ =	shalt  }
0x6e: {  	_ =	shalt  }
0x6f: {  	_ =	shalt  }
0x70: {  	_ =	shalt  }
0x71: {  	_ =	shalt  }
0x72: {  	_ =	shalt  }
0x73: {  	_ =	shalt  }
0x74: {  	_ =	shalt  }
0x75: {  	_ =	shalt  }
0x76: {  	_ =	shalt  }
0x77: {  	_ =	shalt  }
0x78: {  	_ =	shalt  }
0x79: {  	_ =	shalt  }
0x7a: {  	_ =	shalt  }
0x7b: {  	_ =	shalt  }
0x7c: {  	_ =	shalt  }
0x7d: {  	_ =	shalt  }
0x7e: {  	_ =	shalt  }
0x7f: {  	_ =	shalt  }
0x80: {  	_ =	shalt  }
0x81: {  	_ =	shalt  }
0x82: {  	_ =	shalt  }
0x83: {  	_ =	shalt  }
0x84: {  	_ =	shalt  }
0x85: {  	_ =	shalt  }
0x86: {  	_ =	shalt  }
0x87: {  	_ =	shalt  }
.Lfunc_end0:
.L_simem_size_0:
called_computation_lowered:
.L_overlay_start_0:
0x88: {  	s2 =	sld [smem:$0x3FD9]  }
0x89: {  	s3 =	sld [smem:$0x3FFE];
	_ =	sdelay $0x1  }
0x8a: {  	s1 =	srdreg.scid  }
0x8b: {  	s0 =	sand.u32 $0x1, s1  }
0x8c: {  	s17 =	sshll.u32 s0, $0xA;
	s2 =	sadd.s32 s3, s2  }
0x8d: {  	s2 =	sadd.s32 s2, s17  }
0x8e: {  	[smem:$0x3FB0] =	sst s2  }
0x8f: {  	_ = 	snop  }
0x90: {  	s18 =	sld [smem:$0x3FC6]  }
0x91: {  	s4 =	sld [smem:$0x3FD0];
	(tm) =	ssettm $0x1  }
0x92: {  	s19 =	sld [smem:$0x3FFB];
	_ =	sdelay $0x3  }
0x93: {  	_ =	strace s19  }
0x94: {  	s2 =	sld [smem:$0x3FFC];
	_ =	sdelay $0x3  }
0x95: {  	_ =	strace s2  }
0x96: {  	s2 =	sld [smem:$0x3FFD];
	_ =	sdelay $0x3  }
0x97: {  	_ =	strace s2  }
0x98: {  	_ =	strace $0x8FFFFFFF  }
0x99: {  	s20 =	sld [smem:$0x3FDB];
	_ =	sdelay $0x1  }
0x9a: {  	s5 =	simm.s32 $_scs_section_size  }
0x9b: {  	s6 =	simm.s32 $_size__tile_overlayer_lowered;
	s7 =	simm.s32 $_tile_overlayer_lowered  }
0x9c: {  	s8 =	simm.s32 $0x1BFF;
	s21 =	sshll.u32 s7, $0x1;
	s5 =	sadd.s32 s5, s20  }
0x9d: {  	s22 =	simm.s32 $0x0;
	s6 =	sshll.u32 s6, $0x1;
	s7 =	sadd.s32 s21, s5  }
0x9e: {  	[timem:s22], [sflag:s8] =	dma.local [hbm:s7], s6  }
0x9f: {  	_ =	swait.ge [sflag:s8], s6  }
0xa0: {  	s6 =	ssub.s32 $0x0, s6;
	[sflag:s8] =	ssyncset.done $0x0  }
0xa1: {  	[sflag:s8] =	ssyncadd.s32 s6;
	_ =	sdelay $0x1  }
0xa2: {  	s23 =	simm.s32 $0x1B8B  }
0xa3: {  	_ =	swait.ge [sflag:s23], $0x1  }
0xa4: {  	[sflag:s23] =	ssyncset.done $0x0  }
0xa5: {  	[sflag:s23] =	ssyncadd.s32 $0xFFFFFFFF  }
0xa6: {  	s6 =	sld [smem:$0x0]  }
0xa7: {  	s7 =	sand.u32 $0xFFFFFFFE, s1  }
0xa8: {  	p0 =	sne.s32 s1, s7  }
0xa9: {  	s7 =	sshll.u32 @p0 s7, $0xE  }
0xaa: {  	s7 =	sadd.s32 @p0 $0x11B8D, s7;
	s8 =	sshll.u32 @p0 s6, $0x11  }
0xab: {  	s7 =	sor.u32 @p0 s8, s7  }
0xac: {  	[sflag:s7] =	ssyncadd.remote.s32 @p0 $0x1;
	_ =	sdelay $0x1  }
0xad: {  	s7 =	simm.s32 @p0 $0x1B8D  }
0xae: {  	_ =	swait.eq @p0 [sflag:s7], $0x1  }
0xaf: {  	[sflag:s7] =	ssyncadd.s32 @p0 $0xFFFFFFFF  }
0xb0: {  	s8 =	sshll.u32 @!p0 s1, $0xE  }
0xb1: {  	s8 =	sor.u32 @!p0 $0x4000, s8;
	s7 =	simm.s32 @!p0 $0x1B8D  }
0xb2: {  	s6 =	sshll.u32 @!p0 s6, $0x11;
	s8 =	sadd.s32 @!p0 $0x11B8D, s8;
	_ =	swait.eq @!p0 [sflag:s7], $0x1  }
0xb3: {  	s6 =	sor.u32 @!p0 s6, s8;
	[sflag:s7] =	ssyncadd.s32 @!p0 $0xFFFFFFFF  }
0xb4: {  	s25 =	simm.s32 $0x1B8E;
	s24 =	sld [smem:$0x3FFE];
	[sflag:s6] =	ssyncadd.remote.s32 @!p0 $0x1  }
0xb5: {  	s26 =	simm.s32 $execute0_lowered;
	[smem:$0x3FD2] =	sst s25  }
0xb6: {  	s7 =	sshll.u32 s26, $0x1;
	_ =	strace $0x80000049;
	[dreg:$0x1] =	wrdreg $0xFFFFFFFF  }
0xb7: {  	s28 =	simm.s32 $_size_execute0_lowered;
	s5 =	sadd.s32 s5, s7;
	[dreg:$0x0] =	wrdreg $0x0  }
0xb8: {  	s7 =	sshll.u32 s28, $0x1;
	[dreg:$0x2] =	wrdreg s5  }
0xb9: {  	[dreg:$0x3] =	wrdreg s7  }
0xba: {  	[dreg:$0x4] =	wrdreg $0xC0  }
0xbb: {  	_ =	task [dreg:s22], $0x5FFFF  }
0xbc: {  	[dreg:$0x1] =	wrdreg $0xFFFFFFFF  }
0xbd: {  	[dreg:$0x0] =	wrdreg $0x60  }
0xbe: {  	[dreg:$0x2] =	wrdreg s18  }
0xbf: {  	[dreg:$0x3] =	wrdreg s4  }
0xc0: {  	[dreg:$0x4] =	wrdreg s24  }
0xc1: {  	[dreg:$0x5] =	wrdreg $0x9  }
0xc2: {  	_ =	task.clear_ibuf [dreg:s22], $0x6FFFF;
	_ =	strace $0x90000049  }
0xc3: {  	s29 =	simm.s32 $0x9;
	_ =	strace $0x8000004B  }
0xc4: {  	_ =	swait.ge [sflag:s29], $0x1  }
0xc5: {  	[sflag:s29] =	ssyncadd.s32 $0xFFFFFFFF  }
0xc6: {  	_ =	strace $0x9000004B  }
0xc7: {  	_ =	sfence  }
0xc8: {  	s30 =	sld [smem:$0x0];
	_ =	sdelay $0x2  }
0xc9: {  	s31 =	sshll.u32 s1, $0xD;
	s1 =	sshrl.u32 s1, $0x2  }
0xca: {  	s4 =	sand.u32 $0x4000, s31;
	s1 =	sadd.s32 s1, s30  }
0xcb: {  	s0 =	sor.u32 s4, s0;
	s1 =	sshll.u32 s1, $0x11  }
0xcc: {  	s0 =	sor.u32 s1, s0  }
0xcd: {  	s0 =	sadd.s32 $0x8F2B, s0  }
0xce: {  	[sflag:s0] =	ssyncadd.remote.s32 $0x1  }
0xcf: {  	_ =	sfence.sel $0xFFFF  }
0xd0: {  	[dreg:$0x0] =	wrdreg $0xFFFFFFFF;
	(pc) =	sbr.abs _section_cstart, $3  }
0xd1: {  	[dreg:$0x1] =	wrdreg $0xFFFFFFFF  }
0xd2: {  	_ =	task.clear_ibuf [dreg:s22], $0x2FFFF;
	_ =	strace $0x9FFFFFFF  }
0xd3: {  	(tm) =	ssettm $0x7FFFFFFF  }
tec
execute0_lowered:
.L_overlay_start_1:
0x0: {  	(tag) =	ssettag $0x1  }
0x1: {  	s1 =	srdreg.scid;
	s0 =	stileid.u32  }
0x2: {  	s1 =	sand.u32 $0x1, s1;
	s2 =	sshll.u32 s0, $0x1  }
0x3: {  	s4 =	sor.u32 s1, s2  }
0x4: {  	p1 =	seq.s32 s1, $0x1;
	p0 =	seq.s32 s4, $0x0  }
0x5: {  	p0 =	por !p0, !p1  }
0x6: {  	s3 =	simm.s32 $0x1;
	s5 =	rddreg [dreg:$0x1];
	p0 =	por !p0, !p0  }
0x7: {  	s6 =	rddreg [dreg:$0x2];
	s3 =	simm.s32 @!p0 $0x0  }
0x8: {  	s2 =	rddreg [dreg:$0x0];
	s3 =	ssub.s32 s0, s3  }
0x9: {  	s8 =	sshll.u32 s1, $0xA;
	s4 =	sshll.u32 s4, $0xE;
	s7 =	sshll.u32 s3, $0xB  }
0xa: {  	s31 =	sadd.s32 s4, s6;
	s3 =	simm.s32 $0x0;
	s7 =	sor.u32 s8, s7  }
0xb: {  	s4 =	sadd.s32 $0x83600, s31;
	[smem:$0x7FF] =	sst s3;
	s7 =	sshrl.u32 s7, $0x3  }
0xc: {  	_ =	strace $0x8000004A;
	[dreg:$0x5] =	wrdreg s4;
	s5 =	sadd.s32 s5, s7  }
0xd: {  	[dreg:$0x4] =	wrdreg s5  }
0xe: {  	s4 =	simm.s32 $0x9;
	s5 =	rddreg [dreg:$0x4]  }
0xf: {  	[tilespmem:s3], [sflag:$0x9] =	stream.linear.gather [hbm4b:s5+s3], $0x400, $0x38;
	[tilespmem:$0x10400] =	vst v63  }
0x10: {  	_ =	swait.ge [sflag:s4], $0x400  }
0x11: {  	[sflag:s4] =	ssyncset.done $0x0  }
0x12: {  	s6 =	simm.s32 $0x400;
	s5 =	simm.s32 $0x80;
	[sflag:s4] =	ssyncadd.s32 $0xFFFFFC00  }
0x13: {  	[tilespmem:s6], [sflag:$0x1] =	stream.indirect.gather [hbm4b:s2+s5], $0x80, s3, s5, $0xb8;
	[tilespmem:$0x10400] =	vst v63  }
0x14: {  	s7 =	simm.s32 $0x4400  }
0x15: {  	[tilespmem:s7], [sflag:$0x2] =	stream.indirect.gather [hbm4b:s2+s5], $0x80, s5, s5, $0xb8;
	[tilespmem:$0x10400] =	vst v63  }
0x16: {  	s9 =	simm.s32 $0x100;
	s10 =	simm.s32 $0x8400;
	s8 =	simm.s32 $0x1  }
0x17: {  	[tilespmem:s10], [sflag:$0x3] =	stream.indirect.gather [hbm4b:s2+s5], $0x80, s9, s5, $0xb8;
	[tilespmem:$0x10400] =	vst v63  }
0x18: {  	_ =	swait.ge [sflag:s8], $0x4000  }
0x19: {  	[sflag:s8] =	ssyncset.done $0x0  }
0x1a: {  	s11 =	rddreg [dreg:$0x5];
	[sflag:s8] =	ssyncadd.s32 $0xFFFFC000  }
0x1b: {  	[hbm4b:s11+s3] =	stream.linear.scatter [tilespmem:s6], [sflag:$0x5], $0x4000, $0x38;
	[tilespmem:$0x10400] =	vst v63  }
0x1c: {  	s12 =	simm.s32 $0xC400;
	s13 =	simm.s32 $0x2;
	s11 =	simm.s32 $0x180  }
0x1d: {  	[tilespmem:s12], [sflag:$0x4] =	stream.indirect.gather [hbm4b:s2+s5], $0x80, s11, s5, $0xb8;
	[tilespmem:$0x10400] =	vst v63  }
0x1e: {  	_ =	swait.ge [sflag:s13], $0x4000  }
0x1f: {  	[sflag:s13] =	ssyncset.done $0x0  }
0x20: {  	s15 =	simm.s32 $0x5;
	s14 =	sadd.s32 $0x83E00, s31;
	[sflag:s13] =	ssyncadd.s32 $0xFFFFC000  }
0x21: {  	[hbm4b:s14+s3] =	stream.linear.scatter [tilespmem:s7], [sflag:$0x6], $0x4000, $0x38;
	[tilespmem:$0x10400] =	vst v63  }
0x22: {  	_ =	swait.ge [sflag:s15], $0x4000  }
0x23: {  	[sflag:s15] =	ssyncset.done $0x0  }
0x24: {  	s16 =	simm.s32 $0x200;
	s17 =	simm.s32 $0x3;
	[sflag:s15] =	ssyncadd.s32 $0xFFFFC000  }
0x25: {  	[tilespmem:s6], [sflag:$0x1] =	stream.indirect.gather [hbm4b:s2+s5], $0x80, s16, s5, $0xb8;
	[tilespmem:$0x10400] =	vst v63  }
0x26: {  	_ =	swait.ge [sflag:s17], $0x4000  }
0x27: {  	[sflag:s17] =	ssyncset.done $0x0  }
0x28: {  	s19 =	simm.s32 $0x6;
	s18 =	sadd.s32 $0x84600, s31;
	[sflag:s17] =	ssyncadd.s32 $0xFFFFC000  }
0x29: {  	[hbm4b:s18+s3] =	stream.linear.scatter [tilespmem:s10], [sflag:$0x7], $0x4000, $0x38;
	[tilespmem:$0x10400] =	vst v63  }
0x2a: {  	_ =	swait.ge [sflag:s19], $0x4000  }
0x2b: {  	[sflag:s19] =	ssyncset.done $0x0  }
0x2c: {  	s20 =	simm.s32 $0x280;
	s21 =	simm.s32 $0x4;
	[sflag:s19] =	ssyncadd.s32 $0xFFFFC000  }
0x2d: {  	[tilespmem:s7], [sflag:$0x2] =	stream.indirect.gather [hbm4b:s2+s5], $0x80, s20, s5, $0xb8;
	[tilespmem:$0x10400] =	vst v63  }
0x2e: {  	_ =	swait.ge [sflag:s21], $0x4000  }
0x2f: {  	[sflag:s21] =	ssyncset.done $0x0  }
0x30: {  	s23 =	simm.s32 $0x7;
	s22 =	sadd.s32 $0x84E00, s31;
	[sflag:s21] =	ssyncadd.s32 $0xFFFFC000  }
0x31: {  	[hbm4b:s22+s3] =	stream.linear.scatter [tilespmem:s12], [sflag:$0x8], $0x4000, $0x38;
	[tilespmem:$0x10400] =	vst v63  }
0x32: {  	_ =	swait.ge [sflag:s23], $0x4000  }
0x33: {  	[sflag:s23] =	ssyncset.done $0x0  }
0x34: {  	s24 =	simm.s32 $0x300;
	[sflag:s23] =	ssyncadd.s32 $0xFFFFC000  }
0x35: {  	[tilespmem:s10], [sflag:$0x3] =	stream.indirect.gather [hbm4b:s2+s5], $0x80, s24, s5, $0xb8;
	[tilespmem:$0x10400] =	vst v63  }
0x36: {  	_ =	swait.ge [sflag:s8], $0x4000  }
0x37: {  	[sflag:s8] =	ssyncset.done $0x0  }
0x38: {  	s25 =	simm.s32 $0x8;
	s26 =	sadd.s32 $0x85600, s31;
	[sflag:s8] =	ssyncadd.s32 $0xFFFFC000  }
0x39: {  	[hbm4b:s26+s3] =	stream.linear.scatter [tilespmem:s6], [sflag:$0x5], $0x4000, $0x38;
	[tilespmem:$0x10400] =	vst v63  }
0x3a: {  	_ =	swait.ge [sflag:s25], $0x4000  }
0x3b: {  	[sflag:s25] =	ssyncset.done $0x0  }
0x3c: {  	s28 =	simm.s32 $0x380;
	[sflag:s25] =	ssyncadd.s32 $0xFFFFC000  }
0x3d: {  	[tilespmem:s12], [sflag:$0x4] =	stream.indirect.gather [hbm4b:s2+s5], $0x80, s28, s5, $0xb8;
	[tilespmem:$0x10400] =	vst v63  }
0x3e: {  	_ =	swait.ge [sflag:s13], $0x4000  }
0x3f: {  	[sflag:s13] =	ssyncset.done $0x0  }
0x40: {  	s29 =	sadd.s32 $0x85E00, s31;
	[sflag:s13] =	ssyncadd.s32 $0xFFFFC000  }
0x41: {  	[hbm4b:s29+s3] =	stream.linear.scatter [tilespmem:s7], [sflag:$0x6], $0x4000, $0x38;
	[tilespmem:$0x10400] =	vst v63  }
0x42: {  	_ =	swait.ge [sflag:s17], $0x4000  }
0x43: {  	[sflag:s17] =	ssyncset.done $0x0  }
0x44: {  	s30 =	sadd.s32 $0x86600, s31;
	[sflag:s17] =	ssyncadd.s32 $0xFFFFC000  }
0x45: {  	[hbm4b:s30+s3] =	stream.linear.scatter [tilespmem:s10], [sflag:$0x7], $0x4000, $0x38;
	[tilespmem:$0x10400] =	vst v63  }
0x46: {  	_ =	swait.ge [sflag:s21], $0x4000  }
0x47: {  	[sflag:s21] =	ssyncset.done $0x0  }
0x48: {  	s31 =	sadd.s32 $0x86E00, s31;
	[sflag:s21] =	ssyncadd.s32 $0xFFFFC000  }
0x49: {  	[hbm4b:s31+s3] =	stream.linear.scatter [tilespmem:s12], [sflag:$0x8], $0x4000, $0x38;
	[tilespmem:$0x10400] =	vst v63  }
0x4a: {  	s1 =	ssub.s32 $0x2, s1;
	_ =	swait.ge [sflag:s15], $0x4000  }
0x4b: {  	s0 =	sshrl.u32 s1, $0x1;
	[sflag:s15] =	ssyncset.done $0x0  }
0x4c: {  	s0 =	ssub.s32 s1, s0;
	[sflag:s15] =	ssyncadd.s32 $0xFFFFC000  }
0x4d: {  	s0 =	smax.u32 s0, $0x1;
	_ =	swait.ge [sflag:s19], $0x4000  }
0x4e: {  	p0 =	sne.s32 s0, $0x1;
	[sflag:s19] =	ssyncset.done $0x0  }
.Ltmp0:
0x4f: {  	[sflag:s19] =	ssyncadd.s32 $0xFFFFC000;
	(pc) =	sbr.rel @!p0 .LBB2_2-.Ltmp0, $4  }
0x50: {  	_ =	swait.ge [sflag:s23], $0x4000  }
0x51: {  	[sflag:s23] =	ssyncset.done $0x0  }
0x52: {  	[sflag:s23] =	ssyncadd.s32 $0xFFFFC000  }
0x53: {  	s1 =	sadd.s32 $0xFFFFFFFF, s0;
	_ =	swait.ge [sflag:s25], $0x4000  }
.LBB2_1:
0x54: {  	[sflag:s25] =	ssyncset.done $0x0  }
0x55: {  	s0 =	rddreg [dreg:$0x4];
	[sflag:s25] =	ssyncadd.s32 $0xFFFFC000  }
0x56: {  	[tilespmem:s3], [sflag:$0x9] =	stream.linear.gather [hbm4b:s0+s3], $0x400, $0x38;
	[tilespmem:$0x10400] =	vst v63  }
0x57: {  	_ =	swait.ge [sflag:s4], $0x400  }
0x58: {  	[sflag:s4] =	ssyncset.done $0x0  }
0x59: {  	[sflag:s4] =	ssyncadd.s32 $0xFFFFFC00  }
0x5a: {  	[tilespmem:s6], [sflag:$0x1] =	stream.indirect.gather [hbm4b:s2+s5], $0x80, s3, s5, $0xb8;
	[tilespmem:$0x10400] =	vst v63  }
0x5b: {  	_ = 	snop  }
0x5c: {  	[tilespmem:s7], [sflag:$0x2] =	stream.indirect.gather [hbm4b:s2+s5], $0x80, s5, s5, $0xb8;
	[tilespmem:$0x10400] =	vst v63  }
0x5d: {  	_ = 	snop  }
0x5e: {  	[tilespmem:s10], [sflag:$0x3] =	stream.indirect.gather [hbm4b:s2+s5], $0x80, s9, s5, $0xb8;
	[tilespmem:$0x10400] =	vst v63  }
0x5f: {  	_ =	swait.ge [sflag:s8], $0x4000  }
0x60: {  	[sflag:s8] =	ssyncset.done $0x0  }
0x61: {  	s0 =	rddreg [dreg:$0x5];
	[sflag:s8] =	ssyncadd.s32 $0xFFFFC000  }
0x62: {  	[hbm4b:s0+s3] =	stream.linear.scatter [tilespmem:s6], [sflag:$0x5], $0x4000, $0x38;
	[tilespmem:$0x10400] =	vst v63  }
0x63: {  	_ = 	snop  }
0x64: {  	[tilespmem:s12], [sflag:$0x4] =	stream.indirect.gather [hbm4b:s2+s5], $0x80, s11, s5, $0xb8;
	[tilespmem:$0x10400] =	vst v63  }
0x65: {  	_ =	swait.ge [sflag:s13], $0x4000  }
0x66: {  	[sflag:s13] =	ssyncset.done $0x0  }
0x67: {  	[sflag:s13] =	ssyncadd.s32 $0xFFFFC000  }
0x68: {  	[hbm4b:s14+s3] =	stream.linear.scatter [tilespmem:s7], [sflag:$0x6], $0x4000, $0x38;
	[tilespmem:$0x10400] =	vst v63  }
0x69: {  	_ =	swait.ge [sflag:s15], $0x4000  }
0x6a: {  	[sflag:s15] =	ssyncset.done $0x0  }
0x6b: {  	[sflag:s15] =	ssyncadd.s32 $0xFFFFC000  }
0x6c: {  	[tilespmem:s6], [sflag:$0x1] =	stream.indirect.gather [hbm4b:s2+s5], $0x80, s16, s5, $0xb8;
	[tilespmem:$0x10400] =	vst v63  }
0x6d: {  	_ =	swait.ge [sflag:s17], $0x4000  }
0x6e: {  	[sflag:s17] =	ssyncset.done $0x0  }
0x6f: {  	[sflag:s17] =	ssyncadd.s32 $0xFFFFC000  }
0x70: {  	[hbm4b:s18+s3] =	stream.linear.scatter [tilespmem:s10], [sflag:$0x7], $0x4000, $0x38;
	[tilespmem:$0x10400] =	vst v63  }
0x71: {  	_ =	swait.ge [sflag:s19], $0x4000  }
0x72: {  	[sflag:s19] =	ssyncset.done $0x0  }
0x73: {  	[sflag:s19] =	ssyncadd.s32 $0xFFFFC000  }
0x74: {  	[tilespmem:s7], [sflag:$0x2] =	stream.indirect.gather [hbm4b:s2+s5], $0x80, s20, s5, $0xb8;
	[tilespmem:$0x10400] =	vst v63  }
0x75: {  	_ =	swait.ge [sflag:s21], $0x4000  }
0x76: {  	[sflag:s21] =	ssyncset.done $0x0  }
0x77: {  	[sflag:s21] =	ssyncadd.s32 $0xFFFFC000  }
0x78: {  	[hbm4b:s22+s3] =	stream.linear.scatter [tilespmem:s12], [sflag:$0x8], $0x4000, $0x38;
	[tilespmem:$0x10400] =	vst v63  }
0x79: {  	_ =	swait.ge [sflag:s23], $0x4000  }
0x7a: {  	[sflag:s23] =	ssyncset.done $0x0  }
0x7b: {  	[sflag:s23] =	ssyncadd.s32 $0xFFFFC000  }
0x7c: {  	[tilespmem:s10], [sflag:$0x3] =	stream.indirect.gather [hbm4b:s2+s5], $0x80, s24, s5, $0xb8;
	[tilespmem:$0x10400] =	vst v63  }
0x7d: {  	_ =	swait.ge [sflag:s8], $0x4000  }
0x7e: {  	[sflag:s8] =	ssyncset.done $0x0  }
0x7f: {  	[sflag:s8] =	ssyncadd.s32 $0xFFFFC000  }
0x80: {  	[hbm4b:s26+s3] =	stream.linear.scatter [tilespmem:s6], [sflag:$0x5], $0x4000, $0x38;
	[tilespmem:$0x10400] =	vst v63  }
0x81: {  	_ =	swait.ge [sflag:s25], $0x4000  }
0x82: {  	[sflag:s25] =	ssyncset.done $0x0  }
0x83: {  	[sflag:s25] =	ssyncadd.s32 $0xFFFFC000  }
0x84: {  	[tilespmem:s12], [sflag:$0x4] =	stream.indirect.gather [hbm4b:s2+s5], $0x80, s28, s5, $0xb8;
	[tilespmem:$0x10400] =	vst v63  }
0x85: {  	_ =	swait.ge [sflag:s13], $0x4000  }
0x86: {  	[sflag:s13] =	ssyncset.done $0x0  }
0x87: {  	[sflag:s13] =	ssyncadd.s32 $0xFFFFC000  }
0x88: {  	[hbm4b:s29+s3] =	stream.linear.scatter [tilespmem:s7], [sflag:$0x6], $0x4000, $0x38;
	[tilespmem:$0x10400] =	vst v63  }
0x89: {  	_ =	swait.ge [sflag:s17], $0x4000  }
0x8a: {  	[sflag:s17] =	ssyncset.done $0x0  }
0x8b: {  	[sflag:s17] =	ssyncadd.s32 $0xFFFFC000  }
0x8c: {  	[hbm4b:s30+s3] =	stream.linear.scatter [tilespmem:s10], [sflag:$0x7], $0x4000, $0x38;
	[tilespmem:$0x10400] =	vst v63  }
0x8d: {  	_ =	swait.ge [sflag:s21], $0x4000  }
0x8e: {  	[sflag:s21] =	ssyncset.done $0x0  }
0x8f: {  	[sflag:s21] =	ssyncadd.s32 $0xFFFFC000  }
0x90: {  	[hbm4b:s31+s3] =	stream.linear.scatter [tilespmem:s12], [sflag:$0x8], $0x4000, $0x38;
	[tilespmem:$0x10400] =	vst v63  }
0x91: {  	_ =	swait.ge [sflag:s15], $0x4000  }
0x92: {  	[sflag:s15] =	ssyncset.done $0x0  }
0x93: {  	[sflag:s15] =	ssyncadd.s32 $0xFFFFC000  }
0x94: {  	_ =	swait.ge [sflag:s19], $0x4000  }
0x95: {  	p0 =	sne.s32 s1, $0x1;
	[sflag:s19] =	ssyncset.done $0x0  }
.Ltmp1:
0x96: {  	[sflag:s19] =	ssyncadd.s32 $0xFFFFC000;
	(pc) =	sbr.rel @p0 .LBB2_1-.Ltmp1, $4  }
0x97: {  	_ =	swait.ge [sflag:s23], $0x4000  }
0x98: {  	[sflag:s23] =	ssyncset.done $0x0  }
0x99: {  	[sflag:s23] =	ssyncadd.s32 $0xFFFFC000  }
0x9a: {  	s1 =	sadd.s32 $0xFFFFFFFF, s1;
	_ =	swait.ge [sflag:s25], $0x4000  }
.LBB2_2:
0x9b: {  	[sflag:s25] =	ssyncset.done $0x0  }
0x9c: {  	[sflag:s25] =	ssyncadd.s32 $0xFFFFC000  }
0x9d: {  	_ =	sfence.sel $0x180000  }
0x9e: {  	[bflag:$0x0] =	sbarrier.arrive $0xFFFF  }
0x9f: {  	_ =	strace $0x9000004A  }
0xa0: {  	s0 =	stileid.u32;
	[bflag:$0x2] =	sbarrier.arrive $0xFFFF  }
0xa1: {  	p0 =	sne.s32 s0, $0x0;
	s0 =	rddreg [dreg:$0x3]  }
0xa2: {  	s0 =	sadd.s32 @!p0 $0x100000, s0  }
0xa3: {  	[sflag:s0] =	ssyncadd.tile.s32 @!p0 $0x1;
	_ =	shalt  }
.Lfunc_end2:
_tile_overlayer_lowered:
.L_overlay_start_2:
0xa4: {  	(tag) =	ssettag $0x2  }
0xa5: {  	s0 =	rddreg [dreg:$0x0];
	s2 =	stileid.u32  }
0xa6: {  	s1 =	rddreg [dreg:$0x1];
	p0 =	sne.s32 s2, $0x0  }
0xa7: {  	s3 =	rddreg [dreg:$0x2];
	[bflag:$0x3] =	sbarrier.arrive $0xFFFF;
	s2 =	simm.s32 @!p0 $0x1C09  }
0xa8: {  	[timem:s3], [sflag:s2] =	dma.local @!p0 [hbm:s0], s1  }
0xa9: {  	s0 =	simm.s32 @!p0 $0x9  }
0xaa: {  	_ =	swait.ge @!p0 [sflag:s0], s1  }
0xab: {  	s1 =	ssub.s32 @!p0 $0x0, s1;
	[sflag:s0] =	ssyncset.done @!p0 $0x0  }
0xac: {  	[sflag:s0] =	ssyncadd.s32 @!p0 s1  }
0xad: {  	[bflag:$0x3] =	sbarrier.arrive $0xFFFF  }
0xae: {  	_ =	shalt  }

</sc_bundles>
